<compile_context>
chip_gen: v7x
topology: tpu7x:2x2x1
jax: 0.10.2.dev20260603
libtpu: 0.0.44.dev20260713+nightly
codegen_flags: <defaults>
</compile_context>

<pallas_src>
import functools

import jax
import jax.numpy as jnp
from jax import lax
from jax.experimental import pallas as pl
from jax.experimental.pallas import tpu as pltpu
from jax.experimental.pallas import tpu_sc as plsc

NUM_FIELDS = 26
VOCAB = 100000
HIDDEN = 128
BATCH = 4096

NC = 2
NS = 16
L = 16
NW = NC * NS
BPW = BATCH // NW
HS = HIDDEN // L


def _build_sc_kernel():
    mesh = plsc.VectorSubcoreMesh(core_axis_name="c", subcore_axis_name="s")

    @functools.partial(
        pl.kernel,
        mesh=mesh,
        out_type=jax.ShapeDtypeStruct((BATCH, HIDDEN), jnp.float32),
        scratch_types=[
            pltpu.VMEM((NUM_FIELDS, BPW), jnp.int32),
            pltpu.VMEM((BPW, HIDDEN), jnp.float32),
            pltpu.SemaphoreType.DMA,
            pltpu.SemaphoreType.DMA,
        ],
    )
    def k(xt_hbm, tbl_hbm, out_hbm, idx_v, acc_v, semi, sema):
        wid = lax.axis_index("s") * NC + lax.axis_index("c")
        base = wid * BPW

        stage = pltpu.async_copy(
            xt_hbm.at[:, pl.ds(base, BPW)], idx_v, semi)

        zero = jnp.zeros((L,), jnp.float32)

        def zrow(r, carry):
            for h in range(HS):
                acc_v[r, pl.ds(h * L, L)] = zero
            return carry
        lax.fori_loop(0, BPW, zrow, 0)

        stage.wait()

        descs = []
        for f in range(NUM_FIELDS):
            descs.append(
                pltpu.async_copy(tbl_hbm.at[f].at[idx_v.at[f]], acc_v, sema,
                                 add=True))
        for d in descs:
            d.wait()

        pltpu.sync_copy(acc_v, out_hbm.at[pl.ds(base, BPW)])

    return k


_sc_call = _build_sc_kernel()


def kernel(x, tables):
    xt = x.T.reshape(NUM_FIELDS, BATCH).astype(jnp.int32)
    return _sc_call(xt, tables)

# --- scband reference (transcript-rebuilt; emitter-appended) ---
"""Pipeline reference for scband-feature-sum-encoder-6064493822396 (READ-ONLY COPY).

The authoritative reference and input builder live on the scoring server;
editing this copy changes nothing except your own understanding.
"""

import jax, jax.numpy as jnp
import numpy as np

NUM_FIELDS = 26
VOCAB = 100000
HIDDEN = 128
BATCH = 4096

def setup_inputs(seed: int = 0) -> dict:
    key = jax.random.key(seed)
    kx, kt = jax.random.split(key)
    x = jax.random.randint(kx, (BATCH, NUM_FIELDS), 0, VOCAB, dtype=jnp.int64) if jax.config.jax_enable_x64 else jax.random.randint(kx, (BATCH, NUM_FIELDS), 0, VOCAB, dtype=jnp.int32)
    tables = jax.random.normal(kt, (NUM_FIELDS, VOCAB, HIDDEN), dtype=jnp.float32) * 0.02
    return {"x": x, "tables": tables}

def reference(x, tables):
    # Faithful translation: sum of per-field embedding lookups
    x_embedding = jnp.zeros((x.shape[0], tables.shape[-1]), dtype=tables.dtype)
    for i in range(x.shape[-1]):
        x_embedding = x_embedding + jnp.take(tables[i], x[..., i], axis=0)
    return x_embedding

if __name__ == "__main__":
    import jax
    _d = setup_inputs()
    print(jax.jit(kernel)(*tuple(_d.values())))

</pallas_src>

<mosaic_0001>
#map = affine_map<(d0, d1) -> (0, 0)>
#map1 = affine_map<(d0, d1) -> (0, 0, 0)>
module attributes {stable_mosaic.version = 14 : i64} {
  func.func @k(%arg0: i32, %arg1: i32, %arg2: memref<26x4096xi32, #tpu.memory_space<hbm>>, %arg3: memref<26x100000x128xf32, #tpu.memory_space<hbm>>, %arg4: memref<4096x128xf32, #tpu.memory_space<hbm>>, %arg5: memref<26x128xi32, #tpu.memory_space<vmem>>, %arg6: memref<128x128xf32, #tpu.memory_space<vmem>>, %arg7: memref<!tpu.dma_semaphore, #tpu.memory_space<semaphore_mem>>, %arg8: memref<!tpu.dma_semaphore, #tpu.memory_space<semaphore_mem>>) attributes {dimension_semantics = [#tpu.dimension_semantics<core_parallel>, #tpu.dimension_semantics<subcore_parallel>], iteration_bounds = array<i64: 2, 16>, scalar_prefetch = 0 : i64, scratch_operands = 4 : i64, tpu.core_type = #tpu.core_type<sc_vector_subcore>, window_params = [{transform_indices = #map}, {transform_indices = #map1}, {transform_indices = #map}]} {
    %mul3A = arith.constant 2 : i32
    %mul3A_0 = arith.muli %arg1, %mul3A : i32
    %add3A = arith.addi %mul3A_0, %arg0 : i32
    %mul3A_1 = arith.constant 128 : i32
    %mul3A_2 = arith.muli %add3A, %mul3A_1 : i32
    %dma_start3A = arith.constant 0 : i32
    %dma_start3A_3 = tpu.memref_slice %arg2[%dma_start3A, %mul3A_2] : memref<26x4096xi32, #tpu.memory_space<hbm>> -> memref<26x128xi32, #tpu.memory_space<hbm>>
    %dma_start3A_4 = arith.constant 0 : i32
    %dma_start3A_5 = tpu.memref_slice %arg2[%dma_start3A_4, %mul3A_2] : memref<26x4096xi32, #tpu.memory_space<hbm>> -> memref<26x128xi32, #tpu.memory_space<hbm>>
    tpu.enqueue_dma source(%dma_start3A_5 : memref<26x128xi32, #tpu.memory_space<hbm>>) target(%arg5 : memref<26x128xi32, #tpu.memory_space<vmem>>) target_semaphore(%arg7 : memref<!tpu.dma_semaphore, #tpu.memory_space<semaphore_mem>>)
    %broadcast_in_dim3A = arith.constant 0.000000e+00 : f32
    %broadcast_in_dim3A_6 = vector.broadcast %broadcast_in_dim3A : f32 to vector<16xf32>
    %scan3A = arith.constant 0 : i32
    %scan3A_7 = arith.constant 0 : i32
    %scan3A_8 = arith.constant 128 : i32
    %scan3A_9 = arith.addi %scan3A_7, %scan3A_8 : i32
    %scan3A_10 = arith.constant 1 : i32
    scf.for %scan3A_639 = %scan3A_7 to %scan3A_9 step %scan3A_10  : i32 {
      %swap3A = arith.index_cast %scan3A_639 : i32 to index
      %swap3A_640 = arith.constant 0 : index
      %swap3A_641 = tpu.vector_load %arg6[%swap3A, %swap3A_640] {strides = array<i32>} : memref<128x128xf32, #tpu.memory_space<vmem>>, vector<1x16xf32>,
      %swap3A_642 = vector.shape_cast %swap3A_641 : vector<1x16xf32> to vector<16xf32>
      %swap3A_643 = vector.shape_cast %broadcast_in_dim3A_6 : vector<16xf32> to vector<1x16xf32>
      tpu.vector_store %arg6[%swap3A, %swap3A_640], %swap3A_643 {strides = array<i32>} : memref<128x128xf32, #tpu.memory_space<vmem>>, vector<1x16xf32>,
      %swap3A_644 = arith.index_cast %scan3A_639 : i32 to index
      %swap3A_645 = arith.constant 16 : index
      %swap3A_646 = tpu.vector_load %arg6[%swap3A_644, %swap3A_645] {strides = array<i32>} : memref<128x128xf32, #tpu.memory_space<vmem>>, vector<1x16xf32>,
      %swap3A_647 = vector.shape_cast %swap3A_646 : vector<1x16xf32> to vector<16xf32>
      %swap3A_648 = vector.shape_cast %broadcast_in_dim3A_6 : vector<16xf32> to vector<1x16xf32>
      tpu.vector_store %arg6[%swap3A_644, %swap3A_645], %swap3A_648 {strides = array<i32>} : memref<128x128xf32, #tpu.memory_space<vmem>>, vector<1x16xf32>,
      %swap3A_649 = arith.index_cast %scan3A_639 : i32 to index
      %swap3A_650 = arith.constant 32 : index
      %swap3A_651 = tpu.vector_load %arg6[%swap3A_649, %swap3A_650] {strides = array<i32>} : memref<128x128xf32, #tpu.memory_space<vmem>>, vector<1x16xf32>,
      %swap3A_652 = vector.shape_cast %swap3A_651 : vector<1x16xf32> to vector<16xf32>
      %swap3A_653 = vector.shape_cast %broadcast_in_dim3A_6 : vector<16xf32> to vector<1x16xf32>
      tpu.vector_store %arg6[%swap3A_649, %swap3A_650], %swap3A_653 {strides = array<i32>} : memref<128x128xf32, #tpu.memory_space<vmem>>, vector<1x16xf32>,
      %swap3A_654 = arith.index_cast %scan3A_639 : i32 to index
      %swap3A_655 = arith.constant 48 : index
      %swap3A_656 = tpu.vector_load %arg6[%swap3A_654, %swap3A_655] {strides = array<i32>} : memref<128x128xf32, #tpu.memory_space<vmem>>, vector<1x16xf32>,
      %swap3A_657 = vector.shape_cast %swap3A_656 : vector<1x16xf32> to vector<16xf32>
      %swap3A_658 = vector.shape_cast %broadcast_in_dim3A_6 : vector<16xf32> to vector<1x16xf32>
      tpu.vector_store %arg6[%swap3A_654, %swap3A_655], %swap3A_658 {strides = array<i32>} : memref<128x128xf32, #tpu.memory_space<vmem>>, vector<1x16xf32>,
      %swap3A_659 = arith.index_cast %scan3A_639 : i32 to index
      %swap3A_660 = arith.constant 64 : index
      %swap3A_661 = tpu.vector_load %arg6[%swap3A_659, %swap3A_660] {strides = array<i32>} : memref<128x128xf32, #tpu.memory_space<vmem>>, vector<1x16xf32>,
      %swap3A_662 = vector.shape_cast %swap3A_661 : vector<1x16xf32> to vector<16xf32>
      %swap3A_663 = vector.shape_cast %broadcast_in_dim3A_6 : vector<16xf32> to vector<1x16xf32>
      tpu.vector_store %arg6[%swap3A_659, %swap3A_660], %swap3A_663 {strides = array<i32>} : memref<128x128xf32, #tpu.memory_space<vmem>>, vector<1x16xf32>,
      %swap3A_664 = arith.index_cast %scan3A_639 : i32 to index
      %swap3A_665 = arith.constant 80 : index
      %swap3A_666 = tpu.vector_load %arg6[%swap3A_664, %swap3A_665] {strides = array<i32>} : memref<128x128xf32, #tpu.memory_space<vmem>>, vector<1x16xf32>,
      %swap3A_667 = vector.shape_cast %swap3A_666 : vector<1x16xf32> to vector<16xf32>
      %swap3A_668 = vector.shape_cast %broadcast_in_dim3A_6 : vector<16xf32> to vector<1x16xf32>
      tpu.vector_store %arg6[%swap3A_664, %swap3A_665], %swap3A_668 {strides = array<i32>} : memref<128x128xf32, #tpu.memory_space<vmem>>, vector<1x16xf32>,
      %swap3A_669 = arith.index_cast %scan3A_639 : i32 to index
      %swap3A_670 = arith.constant 96 : index
      %swap3A_671 = tpu.vector_load %arg6[%swap3A_669, %swap3A_670] {strides = array<i32>} : memref<128x128xf32, #tpu.memory_space<vmem>>, vector<1x16xf32>,
      %swap3A_672 = vector.shape_cast %swap3A_671 : vector<1x16xf32> to vector<16xf32>
      %swap3A_673 = vector.shape_cast %broadcast_in_dim3A_6 : vector<16xf32> to vector<1x16xf32>
      tpu.vector_store %arg6[%swap3A_669, %swap3A_670], %swap3A_673 {strides = array<i32>} : memref<128x128xf32, #tpu.memory_space<vmem>>, vector<1x16xf32>,
      %swap3A_674 = arith.index_cast %scan3A_639 : i32 to index
      %swap3A_675 = arith.constant 112 : index
      %swap3A_676 = tpu.vector_load %arg6[%swap3A_674, %swap3A_675] {strides = array<i32>} : memref<128x128xf32, #tpu.memory_space<vmem>>, vector<1x16xf32>,
      %swap3A_677 = vector.shape_cast %swap3A_676 : vector<1x16xf32> to vector<16xf32>
      %swap3A_678 = vector.shape_cast %broadcast_in_dim3A_6 : vector<16xf32> to vector<1x16xf32>
      tpu.vector_store %arg6[%swap3A_674, %swap3A_675], %swap3A_678 {strides = array<i32>} : memref<128x128xf32, #tpu.memory_space<vmem>>, vector<1x16xf32>,
    }
    %scan3A_11 = arith.constant 128 : i32
    %dma_wait3A = arith.constant 0 : i32
    %dma_wait3A_12 = tpu.memref_slice %arg2[%dma_wait3A, %mul3A_2] : memref<26x4096xi32, #tpu.memory_space<hbm>> -> memref<26x128xi32, #tpu.memory_space<hbm>>
    %dma_wait3A_13 = arith.constant 0 : i32
    %dma_wait3A_14 = tpu.memref_slice %arg2[%dma_wait3A_13, %mul3A_2] : memref<26x4096xi32, #tpu.memory_space<hbm>> -> memref<26x128xi32, #tpu.memory_space<hbm>>
    tpu.wait_dma2 semaphore(%arg7 : memref<!tpu.dma_semaphore, #tpu.memory_space<semaphore_mem>>) src(%dma_wait3A_14 : memref<26x128xi32, #tpu.memory_space<hbm>>) dst(%arg5 : memref<26x128xi32, #tpu.memory_space<vmem>>)
    %dma_start3A_15 = arith.constant 0 : i32
    %dma_start3A_16 = arith.constant 0 : i32
    %dma_start3A_17 = arith.constant 0 : i32
    %dma_start3A_18 = tpu.memref_slice %arg5[%dma_start3A_16, %dma_start3A_17] : memref<26x128xi32, #tpu.memory_space<vmem>> -> memref<1x128xi32, #tpu.memory_space<vmem>>
    %dma_start3A_19 = tpu.memref_squeeze %dma_start3A_18 : memref<1x128xi32, #tpu.memory_space<vmem>> -> memref<128xi32, #tpu.memory_space<vmem>>
    %dma_start3A_20 = arith.constant 0 : i32
    %dma_start3A_21 = arith.constant 0 : i32
    %dma_start3A_22 = tpu.memref_slice %arg3[%dma_start3A_15, %dma_start3A_20, %dma_start3A_21] : memref<26x100000x128xf32, #tpu.memory_space<hbm>> -> memref<1x100000x128xf32, #tpu.memory_space<hbm>>
    %dma_start3A_23 = tpu.memref_squeeze %dma_start3A_22 : memref<1x100000x128xf32, #tpu.memory_space<hbm>> -> memref<100000x128xf32, #tpu.memory_space<hbm>>
    %dma_start3A_24 = arith.constant 0 : i32
    %dma_start3A_25 = arith.constant 0 : i32
    %dma_start3A_26 = tpu.memref_slice %dma_start3A_23[%dma_start3A_24, %dma_start3A_25] : memref<100000x128xf32, #tpu.memory_space<hbm>> -> memref<100000x128xf32, #tpu.memory_space<hbm>>
    tpu.enqueue_indirect_dma source(%dma_start3A_26 : memref<100000x128xf32, #tpu.memory_space<hbm>>) target(%arg6 : memref<128x128xf32, #tpu.memory_space<vmem>>) offsets(%dma_start3A_19 : memref<128xi32, #tpu.memory_space<vmem>>) semaphore(%arg8 : memref<!tpu.dma_semaphore, #tpu.memory_space<semaphore_mem>>) {add = true}
    %dma_start3A_27 = arith.constant 1 : i32
    %dma_start3A_28 = arith.constant 1 : i32
    %dma_start3A_29 = arith.constant 0 : i32
    %dma_start3A_30 = tpu.memref_slice %arg5[%dma_start3A_28, %dma_start3A_29] : memref<26x128xi32, #tpu.memory_space<vmem>> -> memref<1x128xi32, #tpu.memory_space<vmem>>
    %dma_start3A_31 = tpu.memref_squeeze %dma_start3A_30 : memref<1x128xi32, #tpu.memory_space<vmem>> -> memref<128xi32, #tpu.memory_space<vmem>>
    %dma_start3A_32 = arith.constant 0 : i32
    %dma_start3A_33 = arith.constant 0 : i32
    %dma_start3A_34 = tpu.memref_slice %arg3[%dma_start3A_27, %dma_start3A_32, %dma_start3A_33] : memref<26x100000x128xf32, #tpu.memory_space<hbm>> -> memref<1x100000x128xf32, #tpu.memory_space<hbm>>
    %dma_start3A_35 = tpu.memref_squeeze %dma_start3A_34 : memref<1x100000x128xf32, #tpu.memory_space<hbm>> -> memref<100000x128xf32, #tpu.memory_space<hbm>>
    %dma_start3A_36 = arith.constant 0 : i32
    %dma_start3A_37 = arith.constant 0 : i32
    %dma_start3A_38 = tpu.memref_slice %dma_start3A_35[%dma_start3A_36, %dma_start3A_37] : memref<100000x128xf32, #tpu.memory_space<hbm>> -> memref<100000x128xf32, #tpu.memory_space<hbm>>
    tpu.enqueue_indirect_dma source(%dma_start3A_38 : memref<100000x128xf32, #tpu.memory_space<hbm>>) target(%arg6 : memref<128x128xf32, #tpu.memory_space<vmem>>) offsets(%dma_start3A_31 : memref<128xi32, #tpu.memory_space<vmem>>) semaphore(%arg8 : memref<!tpu.dma_semaphore, #tpu.memory_space<semaphore_mem>>) {add = true}
    %dma_start3A_39 = arith.constant 2 : i32
    %dma_start3A_40 = arith.constant 2 : i32
    %dma_start3A_41 = arith.constant 0 : i32
    %dma_start3A_42 = tpu.memref_slice %arg5[%dma_start3A_40, %dma_start3A_41] : memref<26x128xi32, #tpu.memory_space<vmem>> -> memref<1x128xi32, #tpu.memory_space<vmem>>
    %dma_start3A_43 = tpu.memref_squeeze %dma_start3A_42 : memref<1x128xi32, #tpu.memory_space<vmem>> -> memref<128xi32, #tpu.memory_space<vmem>>
    %dma_start3A_44 = arith.constant 0 : i32
    %dma_start3A_45 = arith.constant 0 : i32
    %dma_start3A_46 = tpu.memref_slice %arg3[%dma_start3A_39, %dma_start3A_44, %dma_start3A_45] : memref<26x100000x128xf32, #tpu.memory_space<hbm>> -> memref<1x100000x128xf32, #tpu.memory_space<hbm>>
    %dma_start3A_47 = tpu.memref_squeeze %dma_start3A_46 : memref<1x100000x128xf32, #tpu.memory_space<hbm>> -> memref<100000x128xf32, #tpu.memory_space<hbm>>
    %dma_start3A_48 = arith.constant 0 : i32
    %dma_start3A_49 = arith.constant 0 : i32
    %dma_start3A_50 = tpu.memref_slice %dma_start3A_47[%dma_start3A_48, %dma_start3A_49] : memref<100000x128xf32, #tpu.memory_space<hbm>> -> memref<100000x128xf32, #tpu.memory_space<hbm>>
    tpu.enqueue_indirect_dma source(%dma_start3A_50 : memref<100000x128xf32, #tpu.memory_space<hbm>>) target(%arg6 : memref<128x128xf32, #tpu.memory_space<vmem>>) offsets(%dma_start3A_43 : memref<128xi32, #tpu.memory_space<vmem>>) semaphore(%arg8 : memref<!tpu.dma_semaphore, #tpu.memory_space<semaphore_mem>>) {add = true}
    %dma_start3A_51 = arith.constant 3 : i32
    %dma_start3A_52 = arith.constant 3 : i32
    %dma_start3A_53 = arith.constant 0 : i32
    %dma_start3A_54 = tpu.memref_slice %arg5[%dma_start3A_52, %dma_start3A_53] : memref<26x128xi32, #tpu.memory_space<vmem>> -> memref<1x128xi32, #tpu.memory_space<vmem>>
    %dma_start3A_55 = tpu.memref_squeeze %dma_start3A_54 : memref<1x128xi32, #tpu.memory_space<vmem>> -> memref<128xi32, #tpu.memory_space<vmem>>
    %dma_start3A_56 = arith.constant 0 : i32
    %dma_start3A_57 = arith.constant 0 : i32
    %dma_start3A_58 = tpu.memref_slice %arg3[%dma_start3A_51, %dma_start3A_56, %dma_start3A_57] : memref<26x100000x128xf32, #tpu.memory_space<hbm>> -> memref<1x100000x128xf32, #tpu.memory_space<hbm>>
    %dma_start3A_59 = tpu.memref_squeeze %dma_start3A_58 : memref<1x100000x128xf32, #tpu.memory_space<hbm>> -> memref<100000x128xf32, #tpu.memory_space<hbm>>
    %dma_start3A_60 = arith.constant 0 : i32
    %dma_start3A_61 = arith.constant 0 : i32
    %dma_start3A_62 = tpu.memref_slice %dma_start3A_59[%dma_start3A_60, %dma_start3A_61] : memref<100000x128xf32, #tpu.memory_space<hbm>> -> memref<100000x128xf32, #tpu.memory_space<hbm>>
    tpu.enqueue_indirect_dma source(%dma_start3A_62 : memref<100000x128xf32, #tpu.memory_space<hbm>>) target(%arg6 : memref<128x128xf32, #tpu.memory_space<vmem>>) offsets(%dma_start3A_55 : memref<128xi32, #tpu.memory_space<vmem>>) semaphore(%arg8 : memref<!tpu.dma_semaphore, #tpu.memory_space<semaphore_mem>>) {add = true}
    %dma_start3A_63 = arith.constant 4 : i32
    %dma_start3A_64 = arith.constant 4 : i32
    %dma_start3A_65 = arith.constant 0 : i32
    %dma_start3A_66 = tpu.memref_slice %arg5[%dma_start3A_64, %dma_start3A_65] : memref<26x128xi32, #tpu.memory_space<vmem>> -> memref<1x128xi32, #tpu.memory_space<vmem>>
    %dma_start3A_67 = tpu.memref_squeeze %dma_start3A_66 : memref<1x128xi32, #tpu.memory_space<vmem>> -> memref<128xi32, #tpu.memory_space<vmem>>
    %dma_start3A_68 = arith.constant 0 : i32
    %dma_start3A_69 = arith.constant 0 : i32
    %dma_start3A_70 = tpu.memref_slice %arg3[%dma_start3A_63, %dma_start3A_68, %dma_start3A_69] : memref<26x100000x128xf32, #tpu.memory_space<hbm>> -> memref<1x100000x128xf32, #tpu.memory_space<hbm>>
    %dma_start3A_71 = tpu.memref_squeeze %dma_start3A_70 : memref<1x100000x128xf32, #tpu.memory_space<hbm>> -> memref<100000x128xf32, #tpu.memory_space<hbm>>
    %dma_start3A_72 = arith.constant 0 : i32
    %dma_start3A_73 = arith.constant 0 : i32
    %dma_start3A_74 = tpu.memref_slice %dma_start3A_71[%dma_start3A_72, %dma_start3A_73] : memref<100000x128xf32, #tpu.memory_space<hbm>> -> memref<100000x128xf32, #tpu.memory_space<hbm>>
    tpu.enqueue_indirect_dma source(%dma_start3A_74 : memref<100000x128xf32, #tpu.memory_space<hbm>>) target(%arg6 : memref<128x128xf32, #tpu.memory_space<vmem>>) offsets(%dma_start3A_67 : memref<128xi32, #tpu.memory_space<vmem>>) semaphore(%arg8 : memref<!tpu.dma_semaphore, #tpu.memory_space<semaphore_mem>>) {add = true}
    %dma_start3A_75 = arith.constant 5 : i32
    %dma_start3A_76 = arith.constant 5 : i32
    %dma_start3A_77 = arith.constant 0 : i32
    %dma_start3A_78 = tpu.memref_slice %arg5[%dma_start3A_76, %dma_start3A_77] : memref<26x128xi32, #tpu.memory_space<vmem>> -> memref<1x128xi32, #tpu.memory_space<vmem>>
    %dma_start3A_79 = tpu.memref_squeeze %dma_start3A_78 : memref<1x128xi32, #tpu.memory_space<vmem>> -> memref<128xi32, #tpu.memory_space<vmem>>
    %dma_start3A_80 = arith.constant 0 : i32
    %dma_start3A_81 = arith.constant 0 : i32
    %dma_start3A_82 = tpu.memref_slice %arg3[%dma_start3A_75, %dma_start3A_80, %dma_start3A_81] : memref<26x100000x128xf32, #tpu.memory_space<hbm>> -> memref<1x100000x128xf32, #tpu.memory_space<hbm>>
    %dma_start3A_83 = tpu.memref_squeeze %dma_start3A_82 : memref<1x100000x128xf32, #tpu.memory_space<hbm>> -> memref<100000x128xf32, #tpu.memory_space<hbm>>
    %dma_start3A_84 = arith.constant 0 : i32
    %dma_start3A_85 = arith.constant 0 : i32
    %dma_start3A_86 = tpu.memref_slice %dma_start3A_83[%dma_start3A_84, %dma_start3A_85] : memref<100000x128xf32, #tpu.memory_space<hbm>> -> memref<100000x128xf32, #tpu.memory_space<hbm>>
    tpu.enqueue_indirect_dma source(%dma_start3A_86 : memref<100000x128xf32, #tpu.memory_space<hbm>>) target(%arg6 : memref<128x128xf32, #tpu.memory_space<vmem>>) offsets(%dma_start3A_79 : memref<128xi32, #tpu.memory_space<vmem>>) semaphore(%arg8 : memref<!tpu.dma_semaphore, #tpu.memory_space<semaphore_mem>>) {add = true}
    %dma_start3A_87 = arith.constant 6 : i32
    %dma_start3A_88 = arith.constant 6 : i32
    %dma_start3A_89 = arith.constant 0 : i32
    %dma_start3A_90 = tpu.memref_slice %arg5[%dma_start3A_88, %dma_start3A_89] : memref<26x128xi32, #tpu.memory_space<vmem>> -> memref<1x128xi32, #tpu.memory_space<vmem>>
    %dma_start3A_91 = tpu.memref_squeeze %dma_start3A_90 : memref<1x128xi32, #tpu.memory_space<vmem>> -> memref<128xi32, #tpu.memory_space<vmem>>
    %dma_start3A_92 = arith.constant 0 : i32
    %dma_start3A_93 = arith.constant 0 : i32
    %dma_start3A_94 = tpu.memref_slice %arg3[%dma_start3A_87, %dma_start3A_92, %dma_start3A_93] : memref<26x100000x128xf32, #tpu.memory_space<hbm>> -> memref<1x100000x128xf32, #tpu.memory_space<hbm>>
    %dma_start3A_95 = tpu.memref_squeeze %dma_start3A_94 : memref<1x100000x128xf32, #tpu.memory_space<hbm>> -> memref<100000x128xf32, #tpu.memory_space<hbm>>
    %dma_start3A_96 = arith.constant 0 : i32
    %dma_start3A_97 = arith.constant 0 : i32
    %dma_start3A_98 = tpu.memref_slice %dma_start3A_95[%dma_start3A_96, %dma_start3A_97] : memref<100000x128xf32, #tpu.memory_space<hbm>> -> memref<100000x128xf32, #tpu.memory_space<hbm>>
    tpu.enqueue_indirect_dma source(%dma_start3A_98 : memref<100000x128xf32, #tpu.memory_space<hbm>>) target(%arg6 : memref<128x128xf32, #tpu.memory_space<vmem>>) offsets(%dma_start3A_91 : memref<128xi32, #tpu.memory_space<vmem>>) semaphore(%arg8 : memref<!tpu.dma_semaphore, #tpu.memory_space<semaphore_mem>>) {add = true}
    %dma_start3A_99 = arith.constant 7 : i32
    %dma_start3A_100 = arith.constant 7 : i32
    %dma_start3A_101 = arith.constant 0 : i32
    %dma_start3A_102 = tpu.memref_slice %arg5[%dma_start3A_100, %dma_start3A_101] : memref<26x128xi32, #tpu.memory_space<vmem>> -> memref<1x128xi32, #tpu.memory_space<vmem>>
    %dma_start3A_103 = tpu.memref_squeeze %dma_start3A_102 : memref<1x128xi32, #tpu.memory_space<vmem>> -> memref<128xi32, #tpu.memory_space<vmem>>
    %dma_start3A_104 = arith.constant 0 : i32
    %dma_start3A_105 = arith.constant 0 : i32
    %dma_start3A_106 = tpu.memref_slice %arg3[%dma_start3A_99, %dma_start3A_104, %dma_start3A_105] : memref<26x100000x128xf32, #tpu.memory_space<hbm>> -> memref<1x100000x128xf32, #tpu.memory_space<hbm>>
    %dma_start3A_107 = tpu.memref_squeeze %dma_start3A_106 : memref<1x100000x128xf32, #tpu.memory_space<hbm>> -> memref<100000x128xf32, #tpu.memory_space<hbm>>
    %dma_start3A_108 = arith.constant 0 : i32
    %dma_start3A_109 = arith.constant 0 : i32
    %dma_start3A_110 = tpu.memref_slice %dma_start3A_107[%dma_start3A_108, %dma_start3A_109] : memref<100000x128xf32, #tpu.memory_space<hbm>> -> memref<100000x128xf32, #tpu.memory_space<hbm>>
    tpu.enqueue_indirect_dma source(%dma_start3A_110 : memref<100000x128xf32, #tpu.memory_space<hbm>>) target(%arg6 : memref<128x128xf32, #tpu.memory_space<vmem>>) offsets(%dma_start3A_103 : memref<128xi32, #tpu.memory_space<vmem>>) semaphore(%arg8 : memref<!tpu.dma_semaphore, #tpu.memory_space<semaphore_mem>>) {add = true}
    %dma_start3A_111 = arith.constant 8 : i32
    %dma_start3A_112 = arith.constant 8 : i32
    %dma_start3A_113 = arith.constant 0 : i32
    %dma_start3A_114 = tpu.memref_slice %arg5[%dma_start3A_112, %dma_start3A_113] : memref<26x128xi32, #tpu.memory_space<vmem>> -> memref<1x128xi32, #tpu.memory_space<vmem>>
    %dma_start3A_115 = tpu.memref_squeeze %dma_start3A_114 : memref<1x128xi32, #tpu.memory_space<vmem>> -> memref<128xi32, #tpu.memory_space<vmem>>
    %dma_start3A_116 = arith.constant 0 : i32
    %dma_start3A_117 = arith.constant 0 : i32
    %dma_start3A_118 = tpu.memref_slice %arg3[%dma_start3A_111, %dma_start3A_116, %dma_start3A_117] : memref<26x100000x128xf32, #tpu.memory_space<hbm>> -> memref<1x100000x128xf32, #tpu.memory_space<hbm>>
    %dma_start3A_119 = tpu.memref_squeeze %dma_start3A_118 : memref<1x100000x128xf32, #tpu.memory_space<hbm>> -> memref<100000x128xf32, #tpu.memory_space<hbm>>
    %dma_start3A_120 = arith.constant 0 : i32
    %dma_start3A_121 = arith.constant 0 : i32
    %dma_start3A_122 = tpu.memref_slice %dma_start3A_119[%dma_start3A_120, %dma_start3A_121] : memref<100000x128xf32, #tpu.memory_space<hbm>> -> memref<100000x128xf32, #tpu.memory_space<hbm>>
    tpu.enqueue_indirect_dma source(%dma_start3A_122 : memref<100000x128xf32, #tpu.memory_space<hbm>>) target(%arg6 : memref<128x128xf32, #tpu.memory_space<vmem>>) offsets(%dma_start3A_115 : memref<128xi32, #tpu.memory_space<vmem>>) semaphore(%arg8 : memref<!tpu.dma_semaphore, #tpu.memory_space<semaphore_mem>>) {add = true}
    %dma_start3A_123 = arith.constant 9 : i32
    %dma_start3A_124 = arith.constant 9 : i32
    %dma_start3A_125 = arith.constant 0 : i32
    %dma_start3A_126 = tpu.memref_slice %arg5[%dma_start3A_124, %dma_start3A_125] : memref<26x128xi32, #tpu.memory_space<vmem>> -> memref<1x128xi32, #tpu.memory_space<vmem>>
    %dma_start3A_127 = tpu.memref_squeeze %dma_start3A_126 : memref<1x128xi32, #tpu.memory_space<vmem>> -> memref<128xi32, #tpu.memory_space<vmem>>
    %dma_start3A_128 = arith.constant 0 : i32
    %dma_start3A_129 = arith.constant 0 : i32
    %dma_start3A_130 = tpu.memref_slice %arg3[%dma_start3A_123, %dma_start3A_128, %dma_start3A_129] : memref<26x100000x128xf32, #tpu.memory_space<hbm>> -> memref<1x100000x128xf32, #tpu.memory_space<hbm>>
    %dma_start3A_131 = tpu.memref_squeeze %dma_start3A_130 : memref<1x100000x128xf32, #tpu.memory_space<hbm>> -> memref<100000x128xf32, #tpu.memory_space<hbm>>
    %dma_start3A_132 = arith.constant 0 : i32
    %dma_start3A_133 = arith.constant 0 : i32
    %dma_start3A_134 = tpu.memref_slice %dma_start3A_131[%dma_start3A_132, %dma_start3A_133] : memref<100000x128xf32, #tpu.memory_space<hbm>> -> memref<100000x128xf32, #tpu.memory_space<hbm>>
    tpu.enqueue_indirect_dma source(%dma_start3A_134 : memref<100000x128xf32, #tpu.memory_space<hbm>>) target(%arg6 : memref<128x128xf32, #tpu.memory_space<vmem>>) offsets(%dma_start3A_127 : memref<128xi32, #tpu.memory_space<vmem>>) semaphore(%arg8 : memref<!tpu.dma_semaphore, #tpu.memory_space<semaphore_mem>>) {add = true}
    %dma_start3A_135 = arith.constant 10 : i32
    %dma_start3A_136 = arith.constant 10 : i32
    %dma_start3A_137 = arith.constant 0 : i32
    %dma_start3A_138 = tpu.memref_slice %arg5[%dma_start3A_136, %dma_start3A_137] : memref<26x128xi32, #tpu.memory_space<vmem>> -> memref<1x128xi32, #tpu.memory_space<vmem>>
    %dma_start3A_139 = tpu.memref_squeeze %dma_start3A_138 : memref<1x128xi32, #tpu.memory_space<vmem>> -> memref<128xi32, #tpu.memory_space<vmem>>
    %dma_start3A_140 = arith.constant 0 : i32
    %dma_start3A_141 = arith.constant 0 : i32
    %dma_start3A_142 = tpu.memref_slice %arg3[%dma_start3A_135, %dma_start3A_140, %dma_start3A_141] : memref<26x100000x128xf32, #tpu.memory_space<hbm>> -> memref<1x100000x128xf32, #tpu.memory_space<hbm>>
    %dma_start3A_143 = tpu.memref_squeeze %dma_start3A_142 : memref<1x100000x128xf32, #tpu.memory_space<hbm>> -> memref<100000x128xf32, #tpu.memory_space<hbm>>
    %dma_start3A_144 = arith.constant 0 : i32
    %dma_start3A_145 = arith.constant 0 : i32
    %dma_start3A_146 = tpu.memref_slice %dma_start3A_143[%dma_start3A_144, %dma_start3A_145] : memref<100000x128xf32, #tpu.memory_space<hbm>> -> memref<100000x128xf32, #tpu.memory_space<hbm>>
    tpu.enqueue_indirect_dma source(%dma_start3A_146 : memref<100000x128xf32, #tpu.memory_space<hbm>>) target(%arg6 : memref<128x128xf32, #tpu.memory_space<vmem>>) offsets(%dma_start3A_139 : memref<128xi32, #tpu.memory_space<vmem>>) semaphore(%arg8 : memref<!tpu.dma_semaphore, #tpu.memory_space<semaphore_mem>>) {add = true}
    %dma_start3A_147 = arith.constant 11 : i32
    %dma_start3A_148 = arith.constant 11 : i32
    %dma_start3A_149 = arith.constant 0 : i32
    %dma_start3A_150 = tpu.memref_slice %arg5[%dma_start3A_148, %dma_start3A_149] : memref<26x128xi32, #tpu.memory_space<vmem>> -> memref<1x128xi32, #tpu.memory_space<vmem>>
    %dma_start3A_151 = tpu.memref_squeeze %dma_start3A_150 : memref<1x128xi32, #tpu.memory_space<vmem>> -> memref<128xi32, #tpu.memory_space<vmem>>
    %dma_start3A_152 = arith.constant 0 : i32
    %dma_start3A_153 = arith.constant 0 : i32
    %dma_start3A_154 = tpu.memref_slice %arg3[%dma_start3A_147, %dma_start3A_152, %dma_start3A_153] : memref<26x100000x128xf32, #tpu.memory_space<hbm>> -> memref<1x100000x128xf32, #tpu.memory_space<hbm>>
    %dma_start3A_155 = tpu.memref_squeeze %dma_start3A_154 : memref<1x100000x128xf32, #tpu.memory_space<hbm>> -> memref<100000x128xf32, #tpu.memory_space<hbm>>
    %dma_start3A_156 = arith.constant 0 : i32
    %dma_start3A_157 = arith.constant 0 : i32
    %dma_start3A_158 = tpu.memref_slice %dma_start3A_155[%dma_start3A_156, %dma_start3A_157] : memref<100000x128xf32, #tpu.memory_space<hbm>> -> memref<100000x128xf32, #tpu.memory_space<hbm>>
    tpu.enqueue_indirect_dma source(%dma_start3A_158 : memref<100000x128xf32, #tpu.memory_space<hbm>>) target(%arg6 : memref<128x128xf32, #tpu.memory_space<vmem>>) offsets(%dma_start3A_151 : memref<128xi32, #tpu.memory_space<vmem>>) semaphore(%arg8 : memref<!tpu.dma_semaphore, #tpu.memory_space<semaphore_mem>>) {add = true}
    %dma_start3A_159 = arith.constant 12 : i32
    %dma_start3A_160 = arith.constant 12 : i32
    %dma_start3A_161 = arith.constant 0 : i32
    %dma_start3A_162 = tpu.memref_slice %arg5[%dma_start3A_160, %dma_start3A_161] : memref<26x128xi32, #tpu.memory_space<vmem>> -> memref<1x128xi32, #tpu.memory_space<vmem>>
    %dma_start3A_163 = tpu.memref_squeeze %dma_start3A_162 : memref<1x128xi32, #tpu.memory_space<vmem>> -> memref<128xi32, #tpu.memory_space<vmem>>
    %dma_start3A_164 = arith.constant 0 : i32
    %dma_start3A_165 = arith.constant 0 : i32
    %dma_start3A_166 = tpu.memref_slice %arg3[%dma_start3A_159, %dma_start3A_164, %dma_start3A_165] : memref<26x100000x128xf32, #tpu.memory_space<hbm>> -> memref<1x100000x128xf32, #tpu.memory_space<hbm>>
    %dma_start3A_167 = tpu.memref_squeeze %dma_start3A_166 : memref<1x100000x128xf32, #tpu.memory_space<hbm>> -> memref<100000x128xf32, #tpu.memory_space<hbm>>
    %dma_start3A_168 = arith.constant 0 : i32
    %dma_start3A_169 = arith.constant 0 : i32
    %dma_start3A_170 = tpu.memref_slice %dma_start3A_167[%dma_start3A_168, %dma_start3A_169] : memref<100000x128xf32, #tpu.memory_space<hbm>> -> memref<100000x128xf32, #tpu.memory_space<hbm>>
    tpu.enqueue_indirect_dma source(%dma_start3A_170 : memref<100000x128xf32, #tpu.memory_space<hbm>>) target(%arg6 : memref<128x128xf32, #tpu.memory_space<vmem>>) offsets(%dma_start3A_163 : memref<128xi32, #tpu.memory_space<vmem>>) semaphore(%arg8 : memref<!tpu.dma_semaphore, #tpu.memory_space<semaphore_mem>>) {add = true}
    %dma_start3A_171 = arith.constant 13 : i32
    %dma_start3A_172 = arith.constant 13 : i32
    %dma_start3A_173 = arith.constant 0 : i32
    %dma_start3A_174 = tpu.memref_slice %arg5[%dma_start3A_172, %dma_start3A_173] : memref<26x128xi32, #tpu.memory_space<vmem>> -> memref<1x128xi32, #tpu.memory_space<vmem>>
    %dma_start3A_175 = tpu.memref_squeeze %dma_start3A_174 : memref<1x128xi32, #tpu.memory_space<vmem>> -> memref<128xi32, #tpu.memory_space<vmem>>
    %dma_start3A_176 = arith.constant 0 : i32
    %dma_start3A_177 = arith.constant 0 : i32
    %dma_start3A_178 = tpu.memref_slice %arg3[%dma_start3A_171, %dma_start3A_176, %dma_start3A_177] : memref<26x100000x128xf32, #tpu.memory_space<hbm>> -> memref<1x100000x128xf32, #tpu.memory_space<hbm>>
    %dma_start3A_179 = tpu.memref_squeeze %dma_start3A_178 : memref<1x100000x128xf32, #tpu.memory_space<hbm>> -> memref<100000x128xf32, #tpu.memory_space<hbm>>
    %dma_start3A_180 = arith.constant 0 : i32
    %dma_start3A_181 = arith.constant 0 : i32
    %dma_start3A_182 = tpu.memref_slice %dma_start3A_179[%dma_start3A_180, %dma_start3A_181] : memref<100000x128xf32, #tpu.memory_space<hbm>> -> memref<100000x128xf32, #tpu.memory_space<hbm>>
    tpu.enqueue_indirect_dma source(%dma_start3A_182 : memref<100000x128xf32, #tpu.memory_space<hbm>>) target(%arg6 : memref<128x128xf32, #tpu.memory_space<vmem>>) offsets(%dma_start3A_175 : memref<128xi32, #tpu.memory_space<vmem>>) semaphore(%arg8 : memref<!tpu.dma_semaphore, #tpu.memory_space<semaphore_mem>>) {add = true}
    %dma_start3A_183 = arith.constant 14 : i32
    %dma_start3A_184 = arith.constant 14 : i32
    %dma_start3A_185 = arith.constant 0 : i32
    %dma_start3A_186 = tpu.memref_slice %arg5[%dma_start3A_184, %dma_start3A_185] : memref<26x128xi32, #tpu.memory_space<vmem>> -> memref<1x128xi32, #tpu.memory_space<vmem>>
    %dma_start3A_187 = tpu.memref_squeeze %dma_start3A_186 : memref<1x128xi32, #tpu.memory_space<vmem>> -> memref<128xi32, #tpu.memory_space<vmem>>
    %dma_start3A_188 = arith.constant 0 : i32
    %dma_start3A_189 = arith.constant 0 : i32
    %dma_start3A_190 = tpu.memref_slice %arg3[%dma_start3A_183, %dma_start3A_188, %dma_start3A_189] : memref<26x100000x128xf32, #tpu.memory_space<hbm>> -> memref<1x100000x128xf32, #tpu.memory_space<hbm>>
    %dma_start3A_191 = tpu.memref_squeeze %dma_start3A_190 : memref<1x100000x128xf32, #tpu.memory_space<hbm>> -> memref<100000x128xf32, #tpu.memory_space<hbm>>
    %dma_start3A_192 = arith.constant 0 : i32
    %dma_start3A_193 = arith.constant 0 : i32
    %dma_start3A_194 = tpu.memref_slice %dma_start3A_191[%dma_start3A_192, %dma_start3A_193] : memref<100000x128xf32, #tpu.memory_space<hbm>> -> memref<100000x128xf32, #tpu.memory_space<hbm>>
    tpu.enqueue_indirect_dma source(%dma_start3A_194 : memref<100000x128xf32, #tpu.memory_space<hbm>>) target(%arg6 : memref<128x128xf32, #tpu.memory_space<vmem>>) offsets(%dma_start3A_187 : memref<128xi32, #tpu.memory_space<vmem>>) semaphore(%arg8 : memref<!tpu.dma_semaphore, #tpu.memory_space<semaphore_mem>>) {add = true}
    %dma_start3A_195 = arith.constant 15 : i32
    %dma_start3A_196 = arith.constant 15 : i32
    %dma_start3A_197 = arith.constant 0 : i32
    %dma_start3A_198 = tpu.memref_slice %arg5[%dma_start3A_196, %dma_start3A_197] : memref<26x128xi32, #tpu.memory_space<vmem>> -> memref<1x128xi32, #tpu.memory_space<vmem>>
    %dma_start3A_199 = tpu.memref_squeeze %dma_start3A_198 : memref<1x128xi32, #tpu.memory_space<vmem>> -> memref<128xi32, #tpu.memory_space<vmem>>
    %dma_start3A_200 = arith.constant 0 : i32
    %dma_start3A_201 = arith.constant 0 : i32
    %dma_start3A_202 = tpu.memref_slice %arg3[%dma_start3A_195, %dma_start3A_200, %dma_start3A_201] : memref<26x100000x128xf32, #tpu.memory_space<hbm>> -> memref<1x100000x128xf32, #tpu.memory_space<hbm>>
    %dma_start3A_203 = tpu.memref_squeeze %dma_start3A_202 : memref<1x100000x128xf32, #tpu.memory_space<hbm>> -> memref<100000x128xf32, #tpu.memory_space<hbm>>
    %dma_start3A_204 = arith.constant 0 : i32
    %dma_start3A_205 = arith.constant 0 : i32
    %dma_start3A_206 = tpu.memref_slice %dma_start3A_203[%dma_start3A_204, %dma_start3A_205] : memref<100000x128xf32, #tpu.memory_space<hbm>> -> memref<100000x128xf32, #tpu.memory_space<hbm>>
    tpu.enqueue_indirect_dma source(%dma_start3A_206 : memref<100000x128xf32, #tpu.memory_space<hbm>>) target(%arg6 : memref<128x128xf32, #tpu.memory_space<vmem>>) offsets(%dma_start3A_199 : memref<128xi32, #tpu.memory_space<vmem>>) semaphore(%arg8 : memref<!tpu.dma_semaphore, #tpu.memory_space<semaphore_mem>>) {add = true}
    %dma_start3A_207 = arith.constant 16 : i32
    %dma_start3A_208 = arith.constant 16 : i32
    %dma_start3A_209 = arith.constant 0 : i32
    %dma_start3A_210 = tpu.memref_slice %arg5[%dma_start3A_208, %dma_start3A_209] : memref<26x128xi32, #tpu.memory_space<vmem>> -> memref<1x128xi32, #tpu.memory_space<vmem>>
    %dma_start3A_211 = tpu.memref_squeeze %dma_start3A_210 : memref<1x128xi32, #tpu.memory_space<vmem>> -> memref<128xi32, #tpu.memory_space<vmem>>
    %dma_start3A_212 = arith.constant 0 : i32
    %dma_start3A_213 = arith.constant 0 : i32
    %dma_start3A_214 = tpu.memref_slice %arg3[%dma_start3A_207, %dma_start3A_212, %dma_start3A_213] : memref<26x100000x128xf32, #tpu.memory_space<hbm>> -> memref<1x100000x128xf32, #tpu.memory_space<hbm>>
    %dma_start3A_215 = tpu.memref_squeeze %dma_start3A_214 : memref<1x100000x128xf32, #tpu.memory_space<hbm>> -> memref<100000x128xf32, #tpu.memory_space<hbm>>
    %dma_start3A_216 = arith.constant 0 : i32
    %dma_start3A_217 = arith.constant 0 : i32
    %dma_start3A_218 = tpu.memref_slice %dma_start3A_215[%dma_start3A_216, %dma_start3A_217] : memref<100000x128xf32, #tpu.memory_space<hbm>> -> memref<100000x128xf32, #tpu.memory_space<hbm>>
    tpu.enqueue_indirect_dma source(%dma_start3A_218 : memref<100000x128xf32, #tpu.memory_space<hbm>>) target(%arg6 : memref<128x128xf32, #tpu.memory_space<vmem>>) offsets(%dma_start3A_211 : memref<128xi32, #tpu.memory_space<vmem>>) semaphore(%arg8 : memref<!tpu.dma_semaphore, #tpu.memory_space<semaphore_mem>>) {add = true}
    %dma_start3A_219 = arith.constant 17 : i32
    %dma_start3A_220 = arith.constant 17 : i32
    %dma_start3A_221 = arith.constant 0 : i32
    %dma_start3A_222 = tpu.memref_slice %arg5[%dma_start3A_220, %dma_start3A_221] : memref<26x128xi32, #tpu.memory_space<vmem>> -> memref<1x128xi32, #tpu.memory_space<vmem>>
    %dma_start3A_223 = tpu.memref_squeeze %dma_start3A_222 : memref<1x128xi32, #tpu.memory_space<vmem>> -> memref<128xi32, #tpu.memory_space<vmem>>
    %dma_start3A_224 = arith.constant 0 : i32
    %dma_start3A_225 = arith.constant 0 : i32
    %dma_start3A_226 = tpu.memref_slice %arg3[%dma_start3A_219, %dma_start3A_224, %dma_start3A_225] : memref<26x100000x128xf32, #tpu.memory_space<hbm>> -> memref<1x100000x128xf32, #tpu.memory_space<hbm>>
    %dma_start3A_227 = tpu.memref_squeeze %dma_start3A_226 : memref<1x100000x128xf32, #tpu.memory_space<hbm>> -> memref<100000x128xf32, #tpu.memory_space<hbm>>
    %dma_start3A_228 = arith.constant 0 : i32
    %dma_start3A_229 = arith.constant 0 : i32
    %dma_start3A_230 = tpu.memref_slice %dma_start3A_227[%dma_start3A_228, %dma_start3A_229] : memref<100000x128xf32, #tpu.memory_space<hbm>> -> memref<100000x128xf32, #tpu.memory_space<hbm>>
    tpu.enqueue_indirect_dma source(%dma_start3A_230 : memref<100000x128xf32, #tpu.memory_space<hbm>>) target(%arg6 : memref<128x128xf32, #tpu.memory_space<vmem>>) offsets(%dma_start3A_223 : memref<128xi32, #tpu.memory_space<vmem>>) semaphore(%arg8 : memref<!tpu.dma_semaphore, #tpu.memory_space<semaphore_mem>>) {add = true}
    %dma_start3A_231 = arith.constant 18 : i32
    %dma_start3A_232 = arith.constant 18 : i32
    %dma_start3A_233 = arith.constant 0 : i32
    %dma_start3A_234 = tpu.memref_slice %arg5[%dma_start3A_232, %dma_start3A_233] : memref<26x128xi32, #tpu.memory_space<vmem>> -> memref<1x128xi32, #tpu.memory_space<vmem>>
    %dma_start3A_235 = tpu.memref_squeeze %dma_start3A_234 : memref<1x128xi32, #tpu.memory_space<vmem>> -> memref<128xi32, #tpu.memory_space<vmem>>
    %dma_start3A_236 = arith.constant 0 : i32
    %dma_start3A_237 = arith.constant 0 : i32
    %dma_start3A_238 = tpu.memref_slice %arg3[%dma_start3A_231, %dma_start3A_236, %dma_start3A_237] : memref<26x100000x128xf32, #tpu.memory_space<hbm>> -> memref<1x100000x128xf32, #tpu.memory_space<hbm>>
    %dma_start3A_239 = tpu.memref_squeeze %dma_start3A_238 : memref<1x100000x128xf32, #tpu.memory_space<hbm>> -> memref<100000x128xf32, #tpu.memory_space<hbm>>
    %dma_start3A_240 = arith.constant 0 : i32
    %dma_start3A_241 = arith.constant 0 : i32
    %dma_start3A_242 = tpu.memref_slice %dma_start3A_239[%dma_start3A_240, %dma_start3A_241] : memref<100000x128xf32, #tpu.memory_space<hbm>> -> memref<100000x128xf32, #tpu.memory_space<hbm>>
    tpu.enqueue_indirect_dma source(%dma_start3A_242 : memref<100000x128xf32, #tpu.memory_space<hbm>>) target(%arg6 : memref<128x128xf32, #tpu.memory_space<vmem>>) offsets(%dma_start3A_235 : memref<128xi32, #tpu.memory_space<vmem>>) semaphore(%arg8 : memref<!tpu.dma_semaphore, #tpu.memory_space<semaphore_mem>>) {add = true}
    %dma_start3A_243 = arith.constant 19 : i32
    %dma_start3A_244 = arith.constant 19 : i32
    %dma_start3A_245 = arith.constant 0 : i32
    %dma_start3A_246 = tpu.memref_slice %arg5[%dma_start3A_244, %dma_start3A_245] : memref<26x128xi32, #tpu.memory_space<vmem>> -> memref<1x128xi32, #tpu.memory_space<vmem>>
    %dma_start3A_247 = tpu.memref_squeeze %dma_start3A_246 : memref<1x128xi32, #tpu.memory_space<vmem>> -> memref<128xi32, #tpu.memory_space<vmem>>
    %dma_start3A_248 = arith.constant 0 : i32
    %dma_start3A_249 = arith.constant 0 : i32
    %dma_start3A_250 = tpu.memref_slice %arg3[%dma_start3A_243, %dma_start3A_248, %dma_start3A_249] : memref<26x100000x128xf32, #tpu.memory_space<hbm>> -> memref<1x100000x128xf32, #tpu.memory_space<hbm>>
    %dma_start3A_251 = tpu.memref_squeeze %dma_start3A_250 : memref<1x100000x128xf32, #tpu.memory_space<hbm>> -> memref<100000x128xf32, #tpu.memory_space<hbm>>
    %dma_start3A_252 = arith.constant 0 : i32
    %dma_start3A_253 = arith.constant 0 : i32
    %dma_start3A_254 = tpu.memref_slice %dma_start3A_251[%dma_start3A_252, %dma_start3A_253] : memref<100000x128xf32, #tpu.memory_space<hbm>> -> memref<100000x128xf32, #tpu.memory_space<hbm>>
    tpu.enqueue_indirect_dma source(%dma_start3A_254 : memref<100000x128xf32, #tpu.memory_space<hbm>>) target(%arg6 : memref<128x128xf32, #tpu.memory_space<vmem>>) offsets(%dma_start3A_247 : memref<128xi32, #tpu.memory_space<vmem>>) semaphore(%arg8 : memref<!tpu.dma_semaphore, #tpu.memory_space<semaphore_mem>>) {add = true}
    %dma_start3A_255 = arith.constant 20 : i32
    %dma_start3A_256 = arith.constant 20 : i32
    %dma_start3A_257 = arith.constant 0 : i32
    %dma_start3A_258 = tpu.memref_slice %arg5[%dma_start3A_256, %dma_start3A_257] : memref<26x128xi32, #tpu.memory_space<vmem>> -> memref<1x128xi32, #tpu.memory_space<vmem>>
    %dma_start3A_259 = tpu.memref_squeeze %dma_start3A_258 : memref<1x128xi32, #tpu.memory_space<vmem>> -> memref<128xi32, #tpu.memory_space<vmem>>
    %dma_start3A_260 = arith.constant 0 : i32
    %dma_start3A_261 = arith.constant 0 : i32
    %dma_start3A_262 = tpu.memref_slice %arg3[%dma_start3A_255, %dma_start3A_260, %dma_start3A_261] : memref<26x100000x128xf32, #tpu.memory_space<hbm>> -> memref<1x100000x128xf32, #tpu.memory_space<hbm>>
    %dma_start3A_263 = tpu.memref_squeeze %dma_start3A_262 : memref<1x100000x128xf32, #tpu.memory_space<hbm>> -> memref<100000x128xf32, #tpu.memory_space<hbm>>
    %dma_start3A_264 = arith.constant 0 : i32
    %dma_start3A_265 = arith.constant 0 : i32
    %dma_start3A_266 = tpu.memref_slice %dma_start3A_263[%dma_start3A_264, %dma_start3A_265] : memref<100000x128xf32, #tpu.memory_space<hbm>> -> memref<100000x128xf32, #tpu.memory_space<hbm>>
    tpu.enqueue_indirect_dma source(%dma_start3A_266 : memref<100000x128xf32, #tpu.memory_space<hbm>>) target(%arg6 : memref<128x128xf32, #tpu.memory_space<vmem>>) offsets(%dma_start3A_259 : memref<128xi32, #tpu.memory_space<vmem>>) semaphore(%arg8 : memref<!tpu.dma_semaphore, #tpu.memory_space<semaphore_mem>>) {add = true}
    %dma_start3A_267 = arith.constant 21 : i32
    %dma_start3A_268 = arith.constant 21 : i32
    %dma_start3A_269 = arith.constant 0 : i32
    %dma_start3A_270 = tpu.memref_slice %arg5[%dma_start3A_268, %dma_start3A_269] : memref<26x128xi32, #tpu.memory_space<vmem>> -> memref<1x128xi32, #tpu.memory_space<vmem>>
    %dma_start3A_271 = tpu.memref_squeeze %dma_start3A_270 : memref<1x128xi32, #tpu.memory_space<vmem>> -> memref<128xi32, #tpu.memory_space<vmem>>
    %dma_start3A_272 = arith.constant 0 : i32
    %dma_start3A_273 = arith.constant 0 : i32
    %dma_start3A_274 = tpu.memref_slice %arg3[%dma_start3A_267, %dma_start3A_272, %dma_start3A_273] : memref<26x100000x128xf32, #tpu.memory_space<hbm>> -> memref<1x100000x128xf32, #tpu.memory_space<hbm>>
    %dma_start3A_275 = tpu.memref_squeeze %dma_start3A_274 : memref<1x100000x128xf32, #tpu.memory_space<hbm>> -> memref<100000x128xf32, #tpu.memory_space<hbm>>
    %dma_start3A_276 = arith.constant 0 : i32
    %dma_start3A_277 = arith.constant 0 : i32
    %dma_start3A_278 = tpu.memref_slice %dma_start3A_275[%dma_start3A_276, %dma_start3A_277] : memref<100000x128xf32, #tpu.memory_space<hbm>> -> memref<100000x128xf32, #tpu.memory_space<hbm>>
    tpu.enqueue_indirect_dma source(%dma_start3A_278 : memref<100000x128xf32, #tpu.memory_space<hbm>>) target(%arg6 : memref<128x128xf32, #tpu.memory_space<vmem>>) offsets(%dma_start3A_271 : memref<128xi32, #tpu.memory_space<vmem>>) semaphore(%arg8 : memref<!tpu.dma_semaphore, #tpu.memory_space<semaphore_mem>>) {add = true}
    %dma_start3A_279 = arith.constant 22 : i32
    %dma_start3A_280 = arith.constant 22 : i32
    %dma_start3A_281 = arith.constant 0 : i32
    %dma_start3A_282 = tpu.memref_slice %arg5[%dma_start3A_280, %dma_start3A_281] : memref<26x128xi32, #tpu.memory_space<vmem>> -> memref<1x128xi32, #tpu.memory_space<vmem>>
    %dma_start3A_283 = tpu.memref_squeeze %dma_start3A_282 : memref<1x128xi32, #tpu.memory_space<vmem>> -> memref<128xi32, #tpu.memory_space<vmem>>
    %dma_start3A_284 = arith.constant 0 : i32
    %dma_start3A_285 = arith.constant 0 : i32
    %dma_start3A_286 = tpu.memref_slice %arg3[%dma_start3A_279, %dma_start3A_284, %dma_start3A_285] : memref<26x100000x128xf32, #tpu.memory_space<hbm>> -> memref<1x100000x128xf32, #tpu.memory_space<hbm>>
    %dma_start3A_287 = tpu.memref_squeeze %dma_start3A_286 : memref<1x100000x128xf32, #tpu.memory_space<hbm>> -> memref<100000x128xf32, #tpu.memory_space<hbm>>
    %dma_start3A_288 = arith.constant 0 : i32
    %dma_start3A_289 = arith.constant 0 : i32
    %dma_start3A_290 = tpu.memref_slice %dma_start3A_287[%dma_start3A_288, %dma_start3A_289] : memref<100000x128xf32, #tpu.memory_space<hbm>> -> memref<100000x128xf32, #tpu.memory_space<hbm>>
    tpu.enqueue_indirect_dma source(%dma_start3A_290 : memref<100000x128xf32, #tpu.memory_space<hbm>>) target(%arg6 : memref<128x128xf32, #tpu.memory_space<vmem>>) offsets(%dma_start3A_283 : memref<128xi32, #tpu.memory_space<vmem>>) semaphore(%arg8 : memref<!tpu.dma_semaphore, #tpu.memory_space<semaphore_mem>>) {add = true}
    %dma_start3A_291 = arith.constant 23 : i32
    %dma_start3A_292 = arith.constant 23 : i32
    %dma_start3A_293 = arith.constant 0 : i32
    %dma_start3A_294 = tpu.memref_slice %arg5[%dma_start3A_292, %dma_start3A_293] : memref<26x128xi32, #tpu.memory_space<vmem>> -> memref<1x128xi32, #tpu.memory_space<vmem>>
    %dma_start3A_295 = tpu.memref_squeeze %dma_start3A_294 : memref<1x128xi32, #tpu.memory_space<vmem>> -> memref<128xi32, #tpu.memory_space<vmem>>
    %dma_start3A_296 = arith.constant 0 : i32
    %dma_start3A_297 = arith.constant 0 : i32
    %dma_start3A_298 = tpu.memref_slice %arg3[%dma_start3A_291, %dma_start3A_296, %dma_start3A_297] : memref<26x100000x128xf32, #tpu.memory_space<hbm>> -> memref<1x100000x128xf32, #tpu.memory_space<hbm>>
    %dma_start3A_299 = tpu.memref_squeeze %dma_start3A_298 : memref<1x100000x128xf32, #tpu.memory_space<hbm>> -> memref<100000x128xf32, #tpu.memory_space<hbm>>
    %dma_start3A_300 = arith.constant 0 : i32
    %dma_start3A_301 = arith.constant 0 : i32
    %dma_start3A_302 = tpu.memref_slice %dma_start3A_299[%dma_start3A_300, %dma_start3A_301] : memref<100000x128xf32, #tpu.memory_space<hbm>> -> memref<100000x128xf32, #tpu.memory_space<hbm>>
    tpu.enqueue_indirect_dma source(%dma_start3A_302 : memref<100000x128xf32, #tpu.memory_space<hbm>>) target(%arg6 : memref<128x128xf32, #tpu.memory_space<vmem>>) offsets(%dma_start3A_295 : memref<128xi32, #tpu.memory_space<vmem>>) semaphore(%arg8 : memref<!tpu.dma_semaphore, #tpu.memory_space<semaphore_mem>>) {add = true}
    %dma_start3A_303 = arith.constant 24 : i32
    %dma_start3A_304 = arith.constant 24 : i32
    %dma_start3A_305 = arith.constant 0 : i32
    %dma_start3A_306 = tpu.memref_slice %arg5[%dma_start3A_304, %dma_start3A_305] : memref<26x128xi32, #tpu.memory_space<vmem>> -> memref<1x128xi32, #tpu.memory_space<vmem>>
    %dma_start3A_307 = tpu.memref_squeeze %dma_start3A_306 : memref<1x128xi32, #tpu.memory_space<vmem>> -> memref<128xi32, #tpu.memory_space<vmem>>
    %dma_start3A_308 = arith.constant 0 : i32
    %dma_start3A_309 = arith.constant 0 : i32
    %dma_start3A_310 = tpu.memref_slice %arg3[%dma_start3A_303, %dma_start3A_308, %dma_start3A_309] : memref<26x100000x128xf32, #tpu.memory_space<hbm>> -> memref<1x100000x128xf32, #tpu.memory_space<hbm>>
    %dma_start3A_311 = tpu.memref_squeeze %dma_start3A_310 : memref<1x100000x128xf32, #tpu.memory_space<hbm>> -> memref<100000x128xf32, #tpu.memory_space<hbm>>
    %dma_start3A_312 = arith.constant 0 : i32
    %dma_start3A_313 = arith.constant 0 : i32
    %dma_start3A_314 = tpu.memref_slice %dma_start3A_311[%dma_start3A_312, %dma_start3A_313] : memref<100000x128xf32, #tpu.memory_space<hbm>> -> memref<100000x128xf32, #tpu.memory_space<hbm>>
    tpu.enqueue_indirect_dma source(%dma_start3A_314 : memref<100000x128xf32, #tpu.memory_space<hbm>>) target(%arg6 : memref<128x128xf32, #tpu.memory_space<vmem>>) offsets(%dma_start3A_307 : memref<128xi32, #tpu.memory_space<vmem>>) semaphore(%arg8 : memref<!tpu.dma_semaphore, #tpu.memory_space<semaphore_mem>>) {add = true}
    %dma_start3A_315 = arith.constant 25 : i32
    %dma_start3A_316 = arith.constant 25 : i32
    %dma_start3A_317 = arith.constant 0 : i32
    %dma_start3A_318 = tpu.memref_slice %arg5[%dma_start3A_316, %dma_start3A_317] : memref<26x128xi32, #tpu.memory_space<vmem>> -> memref<1x128xi32, #tpu.memory_space<vmem>>
    %dma_start3A_319 = tpu.memref_squeeze %dma_start3A_318 : memref<1x128xi32, #tpu.memory_space<vmem>> -> memref<128xi32, #tpu.memory_space<vmem>>
    %dma_start3A_320 = arith.constant 0 : i32
    %dma_start3A_321 = arith.constant 0 : i32
    %dma_start3A_322 = tpu.memref_slice %arg3[%dma_start3A_315, %dma_start3A_320, %dma_start3A_321] : memref<26x100000x128xf32, #tpu.memory_space<hbm>> -> memref<1x100000x128xf32, #tpu.memory_space<hbm>>
    %dma_start3A_323 = tpu.memref_squeeze %dma_start3A_322 : memref<1x100000x128xf32, #tpu.memory_space<hbm>> -> memref<100000x128xf32, #tpu.memory_space<hbm>>
    %dma_start3A_324 = arith.constant 0 : i32
    %dma_start3A_325 = arith.constant 0 : i32
    %dma_start3A_326 = tpu.memref_slice %dma_start3A_323[%dma_start3A_324, %dma_start3A_325] : memref<100000x128xf32, #tpu.memory_space<hbm>> -> memref<100000x128xf32, #tpu.memory_space<hbm>>
    tpu.enqueue_indirect_dma source(%dma_start3A_326 : memref<100000x128xf32, #tpu.memory_space<hbm>>) target(%arg6 : memref<128x128xf32, #tpu.memory_space<vmem>>) offsets(%dma_start3A_319 : memref<128xi32, #tpu.memory_space<vmem>>) semaphore(%arg8 : memref<!tpu.dma_semaphore, #tpu.memory_space<semaphore_mem>>) {add = true}
    %dma_wait3A_327 = arith.constant 0 : i32
    %dma_wait3A_328 = arith.constant 0 : i32
    %dma_wait3A_329 = arith.constant 0 : i32
    %dma_wait3A_330 = tpu.memref_slice %arg5[%dma_wait3A_328, %dma_wait3A_329] : memref<26x128xi32, #tpu.memory_space<vmem>> -> memref<1x128xi32, #tpu.memory_space<vmem>>
    %dma_wait3A_331 = tpu.memref_squeeze %dma_wait3A_330 : memref<1x128xi32, #tpu.memory_space<vmem>> -> memref<128xi32, #tpu.memory_space<vmem>>
    %dma_wait3A_332 = arith.constant 0 : i32
    %dma_wait3A_333 = arith.constant 0 : i32
    %dma_wait3A_334 = tpu.memref_slice %arg3[%dma_wait3A_327, %dma_wait3A_332, %dma_wait3A_333] : memref<26x100000x128xf32, #tpu.memory_space<hbm>> -> memref<1x100000x128xf32, #tpu.memory_space<hbm>>
    %dma_wait3A_335 = tpu.memref_squeeze %dma_wait3A_334 : memref<1x100000x128xf32, #tpu.memory_space<hbm>> -> memref<100000x128xf32, #tpu.memory_space<hbm>>
    %dma_wait3A_336 = arith.constant 0 : i32
    %dma_wait3A_337 = arith.constant 0 : i32
    %dma_wait3A_338 = tpu.memref_slice %dma_wait3A_335[%dma_wait3A_336, %dma_wait3A_337] : memref<100000x128xf32, #tpu.memory_space<hbm>> -> memref<100000x128xf32, #tpu.memory_space<hbm>>
    tpu.wait_indirect_dma semaphore(%arg8 : memref<!tpu.dma_semaphore, #tpu.memory_space<semaphore_mem>>) src(%dma_wait3A_338 : memref<100000x128xf32, #tpu.memory_space<hbm>>) dst(%arg6 : memref<128x128xf32, #tpu.memory_space<vmem>>)
    %dma_wait3A_339 = arith.constant 1 : i32
    %dma_wait3A_340 = arith.constant 1 : i32
    %dma_wait3A_341 = arith.constant 0 : i32
    %dma_wait3A_342 = tpu.memref_slice %arg5[%dma_wait3A_340, %dma_wait3A_341] : memref<26x128xi32, #tpu.memory_space<vmem>> -> memref<1x128xi32, #tpu.memory_space<vmem>>
    %dma_wait3A_343 = tpu.memref_squeeze %dma_wait3A_342 : memref<1x128xi32, #tpu.memory_space<vmem>> -> memref<128xi32, #tpu.memory_space<vmem>>
    %dma_wait3A_344 = arith.constant 0 : i32
    %dma_wait3A_345 = arith.constant 0 : i32
    %dma_wait3A_346 = tpu.memref_slice %arg3[%dma_wait3A_339, %dma_wait3A_344, %dma_wait3A_345] : memref<26x100000x128xf32, #tpu.memory_space<hbm>> -> memref<1x100000x128xf32, #tpu.memory_space<hbm>>
    %dma_wait3A_347 = tpu.memref_squeeze %dma_wait3A_346 : memref<1x100000x128xf32, #tpu.memory_space<hbm>> -> memref<100000x128xf32, #tpu.memory_space<hbm>>
    %dma_wait3A_348 = arith.constant 0 : i32
    %dma_wait3A_349 = arith.constant 0 : i32
    %dma_wait3A_350 = tpu.memref_slice %dma_wait3A_347[%dma_wait3A_348, %dma_wait3A_349] : memref<100000x128xf32, #tpu.memory_space<hbm>> -> memref<100000x128xf32, #tpu.memory_space<hbm>>
    tpu.wait_indirect_dma semaphore(%arg8 : memref<!tpu.dma_semaphore, #tpu.memory_space<semaphore_mem>>) src(%dma_wait3A_350 : memref<100000x128xf32, #tpu.memory_space<hbm>>) dst(%arg6 : memref<128x128xf32, #tpu.memory_space<vmem>>)
    %dma_wait3A_351 = arith.constant 2 : i32
    %dma_wait3A_352 = arith.constant 2 : i32
    %dma_wait3A_353 = arith.constant 0 : i32
    %dma_wait3A_354 = tpu.memref_slice %arg5[%dma_wait3A_352, %dma_wait3A_353] : memref<26x128xi32, #tpu.memory_space<vmem>> -> memref<1x128xi32, #tpu.memory_space<vmem>>
    %dma_wait3A_355 = tpu.memref_squeeze %dma_wait3A_354 : memref<1x128xi32, #tpu.memory_space<vmem>> -> memref<128xi32, #tpu.memory_space<vmem>>
    %dma_wait3A_356 = arith.constant 0 : i32
    %dma_wait3A_357 = arith.constant 0 : i32
    %dma_wait3A_358 = tpu.memref_slice %arg3[%dma_wait3A_351, %dma_wait3A_356, %dma_wait3A_357] : memref<26x100000x128xf32, #tpu.memory_space<hbm>> -> memref<1x100000x128xf32, #tpu.memory_space<hbm>>
    %dma_wait3A_359 = tpu.memref_squeeze %dma_wait3A_358 : memref<1x100000x128xf32, #tpu.memory_space<hbm>> -> memref<100000x128xf32, #tpu.memory_space<hbm>>
    %dma_wait3A_360 = arith.constant 0 : i32
    %dma_wait3A_361 = arith.constant 0 : i32
    %dma_wait3A_362 = tpu.memref_slice %dma_wait3A_359[%dma_wait3A_360, %dma_wait3A_361] : memref<100000x128xf32, #tpu.memory_space<hbm>> -> memref<100000x128xf32, #tpu.memory_space<hbm>>
    tpu.wait_indirect_dma semaphore(%arg8 : memref<!tpu.dma_semaphore, #tpu.memory_space<semaphore_mem>>) src(%dma_wait3A_362 : memref<100000x128xf32, #tpu.memory_space<hbm>>) dst(%arg6 : memref<128x128xf32, #tpu.memory_space<vmem>>)
    %dma_wait3A_363 = arith.constant 3 : i32
    %dma_wait3A_364 = arith.constant 3 : i32
    %dma_wait3A_365 = arith.constant 0 : i32
    %dma_wait3A_366 = tpu.memref_slice %arg5[%dma_wait3A_364, %dma_wait3A_365] : memref<26x128xi32, #tpu.memory_space<vmem>> -> memref<1x128xi32, #tpu.memory_space<vmem>>
    %dma_wait3A_367 = tpu.memref_squeeze %dma_wait3A_366 : memref<1x128xi32, #tpu.memory_space<vmem>> -> memref<128xi32, #tpu.memory_space<vmem>>
    %dma_wait3A_368 = arith.constant 0 : i32
    %dma_wait3A_369 = arith.constant 0 : i32
    %dma_wait3A_370 = tpu.memref_slice %arg3[%dma_wait3A_363, %dma_wait3A_368, %dma_wait3A_369] : memref<26x100000x128xf32, #tpu.memory_space<hbm>> -> memref<1x100000x128xf32, #tpu.memory_space<hbm>>
    %dma_wait3A_371 = tpu.memref_squeeze %dma_wait3A_370 : memref<1x100000x128xf32, #tpu.memory_space<hbm>> -> memref<100000x128xf32, #tpu.memory_space<hbm>>
    %dma_wait3A_372 = arith.constant 0 : i32
    %dma_wait3A_373 = arith.constant 0 : i32
    %dma_wait3A_374 = tpu.memref_slice %dma_wait3A_371[%dma_wait3A_372, %dma_wait3A_373] : memref<100000x128xf32, #tpu.memory_space<hbm>> -> memref<100000x128xf32, #tpu.memory_space<hbm>>
    tpu.wait_indirect_dma semaphore(%arg8 : memref<!tpu.dma_semaphore, #tpu.memory_space<semaphore_mem>>) src(%dma_wait3A_374 : memref<100000x128xf32, #tpu.memory_space<hbm>>) dst(%arg6 : memref<128x128xf32, #tpu.memory_space<vmem>>)
    %dma_wait3A_375 = arith.constant 4 : i32
    %dma_wait3A_376 = arith.constant 4 : i32
    %dma_wait3A_377 = arith.constant 0 : i32
    %dma_wait3A_378 = tpu.memref_slice %arg5[%dma_wait3A_376, %dma_wait3A_377] : memref<26x128xi32, #tpu.memory_space<vmem>> -> memref<1x128xi32, #tpu.memory_space<vmem>>
    %dma_wait3A_379 = tpu.memref_squeeze %dma_wait3A_378 : memref<1x128xi32, #tpu.memory_space<vmem>> -> memref<128xi32, #tpu.memory_space<vmem>>
    %dma_wait3A_380 = arith.constant 0 : i32
    %dma_wait3A_381 = arith.constant 0 : i32
    %dma_wait3A_382 = tpu.memref_slice %arg3[%dma_wait3A_375, %dma_wait3A_380, %dma_wait3A_381] : memref<26x100000x128xf32, #tpu.memory_space<hbm>> -> memref<1x100000x128xf32, #tpu.memory_space<hbm>>
    %dma_wait3A_383 = tpu.memref_squeeze %dma_wait3A_382 : memref<1x100000x128xf32, #tpu.memory_space<hbm>> -> memref<100000x128xf32, #tpu.memory_space<hbm>>
    %dma_wait3A_384 = arith.constant 0 : i32
    %dma_wait3A_385 = arith.constant 0 : i32
    %dma_wait3A_386 = tpu.memref_slice %dma_wait3A_383[%dma_wait3A_384, %dma_wait3A_385] : memref<100000x128xf32, #tpu.memory_space<hbm>> -> memref<100000x128xf32, #tpu.memory_space<hbm>>
    tpu.wait_indirect_dma semaphore(%arg8 : memref<!tpu.dma_semaphore, #tpu.memory_space<semaphore_mem>>) src(%dma_wait3A_386 : memref<100000x128xf32, #tpu.memory_space<hbm>>) dst(%arg6 : memref<128x128xf32, #tpu.memory_space<vmem>>)
    %dma_wait3A_387 = arith.constant 5 : i32
    %dma_wait3A_388 = arith.constant 5 : i32
    %dma_wait3A_389 = arith.constant 0 : i32
    %dma_wait3A_390 = tpu.memref_slice %arg5[%dma_wait3A_388, %dma_wait3A_389] : memref<26x128xi32, #tpu.memory_space<vmem>> -> memref<1x128xi32, #tpu.memory_space<vmem>>
    %dma_wait3A_391 = tpu.memref_squeeze %dma_wait3A_390 : memref<1x128xi32, #tpu.memory_space<vmem>> -> memref<128xi32, #tpu.memory_space<vmem>>
    %dma_wait3A_392 = arith.constant 0 : i32
    %dma_wait3A_393 = arith.constant 0 : i32
    %dma_wait3A_394 = tpu.memref_slice %arg3[%dma_wait3A_387, %dma_wait3A_392, %dma_wait3A_393] : memref<26x100000x128xf32, #tpu.memory_space<hbm>> -> memref<1x100000x128xf32, #tpu.memory_space<hbm>>
    %dma_wait3A_395 = tpu.memref_squeeze %dma_wait3A_394 : memref<1x100000x128xf32, #tpu.memory_space<hbm>> -> memref<100000x128xf32, #tpu.memory_space<hbm>>
    %dma_wait3A_396 = arith.constant 0 : i32
    %dma_wait3A_397 = arith.constant 0 : i32
    %dma_wait3A_398 = tpu.memref_slice %dma_wait3A_395[%dma_wait3A_396, %dma_wait3A_397] : memref<100000x128xf32, #tpu.memory_space<hbm>> -> memref<100000x128xf32, #tpu.memory_space<hbm>>
    tpu.wait_indirect_dma semaphore(%arg8 : memref<!tpu.dma_semaphore, #tpu.memory_space<semaphore_mem>>) src(%dma_wait3A_398 : memref<100000x128xf32, #tpu.memory_space<hbm>>) dst(%arg6 : memref<128x128xf32, #tpu.memory_space<vmem>>)
    %dma_wait3A_399 = arith.constant 6 : i32
    %dma_wait3A_400 = arith.constant 6 : i32
    %dma_wait3A_401 = arith.constant 0 : i32
    %dma_wait3A_402 = tpu.memref_slice %arg5[%dma_wait3A_400, %dma_wait3A_401] : memref<26x128xi32, #tpu.memory_space<vmem>> -> memref<1x128xi32, #tpu.memory_space<vmem>>
    %dma_wait3A_403 = tpu.memref_squeeze %dma_wait3A_402 : memref<1x128xi32, #tpu.memory_space<vmem>> -> memref<128xi32, #tpu.memory_space<vmem>>
    %dma_wait3A_404 = arith.constant 0 : i32
    %dma_wait3A_405 = arith.constant 0 : i32
    %dma_wait3A_406 = tpu.memref_slice %arg3[%dma_wait3A_399, %dma_wait3A_404, %dma_wait3A_405] : memref<26x100000x128xf32, #tpu.memory_space<hbm>> -> memref<1x100000x128xf32, #tpu.memory_space<hbm>>
    %dma_wait3A_407 = tpu.memref_squeeze %dma_wait3A_406 : memref<1x100000x128xf32, #tpu.memory_space<hbm>> -> memref<100000x128xf32, #tpu.memory_space<hbm>>
    %dma_wait3A_408 = arith.constant 0 : i32
    %dma_wait3A_409 = arith.constant 0 : i32
    %dma_wait3A_410 = tpu.memref_slice %dma_wait3A_407[%dma_wait3A_408, %dma_wait3A_409] : memref<100000x128xf32, #tpu.memory_space<hbm>> -> memref<100000x128xf32, #tpu.memory_space<hbm>>
    tpu.wait_indirect_dma semaphore(%arg8 : memref<!tpu.dma_semaphore, #tpu.memory_space<semaphore_mem>>) src(%dma_wait3A_410 : memref<100000x128xf32, #tpu.memory_space<hbm>>) dst(%arg6 : memref<128x128xf32, #tpu.memory_space<vmem>>)
    %dma_wait3A_411 = arith.constant 7 : i32
    %dma_wait3A_412 = arith.constant 7 : i32
    %dma_wait3A_413 = arith.constant 0 : i32
    %dma_wait3A_414 = tpu.memref_slice %arg5[%dma_wait3A_412, %dma_wait3A_413] : memref<26x128xi32, #tpu.memory_space<vmem>> -> memref<1x128xi32, #tpu.memory_space<vmem>>
    %dma_wait3A_415 = tpu.memref_squeeze %dma_wait3A_414 : memref<1x128xi32, #tpu.memory_space<vmem>> -> memref<128xi32, #tpu.memory_space<vmem>>
    %dma_wait3A_416 = arith.constant 0 : i32
    %dma_wait3A_417 = arith.constant 0 : i32
    %dma_wait3A_418 = tpu.memref_slice %arg3[%dma_wait3A_411, %dma_wait3A_416, %dma_wait3A_417] : memref<26x100000x128xf32, #tpu.memory_space<hbm>> -> memref<1x100000x128xf32, #tpu.memory_space<hbm>>
    %dma_wait3A_419 = tpu.memref_squeeze %dma_wait3A_418 : memref<1x100000x128xf32, #tpu.memory_space<hbm>> -> memref<100000x128xf32, #tpu.memory_space<hbm>>
    %dma_wait3A_420 = arith.constant 0 : i32
    %dma_wait3A_421 = arith.constant 0 : i32
    %dma_wait3A_422 = tpu.memref_slice %dma_wait3A_419[%dma_wait3A_420, %dma_wait3A_421] : memref<100000x128xf32, #tpu.memory_space<hbm>> -> memref<100000x128xf32, #tpu.memory_space<hbm>>
    tpu.wait_indirect_dma semaphore(%arg8 : memref<!tpu.dma_semaphore, #tpu.memory_space<semaphore_mem>>) src(%dma_wait3A_422 : memref<100000x128xf32, #tpu.memory_space<hbm>>) dst(%arg6 : memref<128x128xf32, #tpu.memory_space<vmem>>)
    %dma_wait3A_423 = arith.constant 8 : i32
    %dma_wait3A_424 = arith.constant 8 : i32
    %dma_wait3A_425 = arith.constant 0 : i32
    %dma_wait3A_426 = tpu.memref_slice %arg5[%dma_wait3A_424, %dma_wait3A_425] : memref<26x128xi32, #tpu.memory_space<vmem>> -> memref<1x128xi32, #tpu.memory_space<vmem>>
    %dma_wait3A_427 = tpu.memref_squeeze %dma_wait3A_426 : memref<1x128xi32, #tpu.memory_space<vmem>> -> memref<128xi32, #tpu.memory_space<vmem>>
    %dma_wait3A_428 = arith.constant 0 : i32
    %dma_wait3A_429 = arith.constant 0 : i32
    %dma_wait3A_430 = tpu.memref_slice %arg3[%dma_wait3A_423, %dma_wait3A_428, %dma_wait3A_429] : memref<26x100000x128xf32, #tpu.memory_space<hbm>> -> memref<1x100000x128xf32, #tpu.memory_space<hbm>>
    %dma_wait3A_431 = tpu.memref_squeeze %dma_wait3A_430 : memref<1x100000x128xf32, #tpu.memory_space<hbm>> -> memref<100000x128xf32, #tpu.memory_space<hbm>>
    %dma_wait3A_432 = arith.constant 0 : i32
    %dma_wait3A_433 = arith.constant 0 : i32
    %dma_wait3A_434 = tpu.memref_slice %dma_wait3A_431[%dma_wait3A_432, %dma_wait3A_433] : memref<100000x128xf32, #tpu.memory_space<hbm>> -> memref<100000x128xf32, #tpu.memory_space<hbm>>
    tpu.wait_indirect_dma semaphore(%arg8 : memref<!tpu.dma_semaphore, #tpu.memory_space<semaphore_mem>>) src(%dma_wait3A_434 : memref<100000x128xf32, #tpu.memory_space<hbm>>) dst(%arg6 : memref<128x128xf32, #tpu.memory_space<vmem>>)
    %dma_wait3A_435 = arith.constant 9 : i32
    %dma_wait3A_436 = arith.constant 9 : i32
    %dma_wait3A_437 = arith.constant 0 : i32
    %dma_wait3A_438 = tpu.memref_slice %arg5[%dma_wait3A_436, %dma_wait3A_437] : memref<26x128xi32, #tpu.memory_space<vmem>> -> memref<1x128xi32, #tpu.memory_space<vmem>>
    %dma_wait3A_439 = tpu.memref_squeeze %dma_wait3A_438 : memref<1x128xi32, #tpu.memory_space<vmem>> -> memref<128xi32, #tpu.memory_space<vmem>>
    %dma_wait3A_440 = arith.constant 0 : i32
    %dma_wait3A_441 = arith.constant 0 : i32
    %dma_wait3A_442 = tpu.memref_slice %arg3[%dma_wait3A_435, %dma_wait3A_440, %dma_wait3A_441] : memref<26x100000x128xf32, #tpu.memory_space<hbm>> -> memref<1x100000x128xf32, #tpu.memory_space<hbm>>
    %dma_wait3A_443 = tpu.memref_squeeze %dma_wait3A_442 : memref<1x100000x128xf32, #tpu.memory_space<hbm>> -> memref<100000x128xf32, #tpu.memory_space<hbm>>
    %dma_wait3A_444 = arith.constant 0 : i32
    %dma_wait3A_445 = arith.constant 0 : i32
    %dma_wait3A_446 = tpu.memref_slice %dma_wait3A_443[%dma_wait3A_444, %dma_wait3A_445] : memref<100000x128xf32, #tpu.memory_space<hbm>> -> memref<100000x128xf32, #tpu.memory_space<hbm>>
    tpu.wait_indirect_dma semaphore(%arg8 : memref<!tpu.dma_semaphore, #tpu.memory_space<semaphore_mem>>) src(%dma_wait3A_446 : memref<100000x128xf32, #tpu.memory_space<hbm>>) dst(%arg6 : memref<128x128xf32, #tpu.memory_space<vmem>>)
    %dma_wait3A_447 = arith.constant 10 : i32
    %dma_wait3A_448 = arith.constant 10 : i32
    %dma_wait3A_449 = arith.constant 0 : i32
    %dma_wait3A_450 = tpu.memref_slice %arg5[%dma_wait3A_448, %dma_wait3A_449] : memref<26x128xi32, #tpu.memory_space<vmem>> -> memref<1x128xi32, #tpu.memory_space<vmem>>
    %dma_wait3A_451 = tpu.memref_squeeze %dma_wait3A_450 : memref<1x128xi32, #tpu.memory_space<vmem>> -> memref<128xi32, #tpu.memory_space<vmem>>
    %dma_wait3A_452 = arith.constant 0 : i32
    %dma_wait3A_453 = arith.constant 0 : i32
    %dma_wait3A_454 = tpu.memref_slice %arg3[%dma_wait3A_447, %dma_wait3A_452, %dma_wait3A_453] : memref<26x100000x128xf32, #tpu.memory_space<hbm>> -> memref<1x100000x128xf32, #tpu.memory_space<hbm>>
    %dma_wait3A_455 = tpu.memref_squeeze %dma_wait3A_454 : memref<1x100000x128xf32, #tpu.memory_space<hbm>> -> memref<100000x128xf32, #tpu.memory_space<hbm>>
    %dma_wait3A_456 = arith.constant 0 : i32
    %dma_wait3A_457 = arith.constant 0 : i32
    %dma_wait3A_458 = tpu.memref_slice %dma_wait3A_455[%dma_wait3A_456, %dma_wait3A_457] : memref<100000x128xf32, #tpu.memory_space<hbm>> -> memref<100000x128xf32, #tpu.memory_space<hbm>>
    tpu.wait_indirect_dma semaphore(%arg8 : memref<!tpu.dma_semaphore, #tpu.memory_space<semaphore_mem>>) src(%dma_wait3A_458 : memref<100000x128xf32, #tpu.memory_space<hbm>>) dst(%arg6 : memref<128x128xf32, #tpu.memory_space<vmem>>)
    %dma_wait3A_459 = arith.constant 11 : i32
    %dma_wait3A_460 = arith.constant 11 : i32
    %dma_wait3A_461 = arith.constant 0 : i32
    %dma_wait3A_462 = tpu.memref_slice %arg5[%dma_wait3A_460, %dma_wait3A_461] : memref<26x128xi32, #tpu.memory_space<vmem>> -> memref<1x128xi32, #tpu.memory_space<vmem>>
    %dma_wait3A_463 = tpu.memref_squeeze %dma_wait3A_462 : memref<1x128xi32, #tpu.memory_space<vmem>> -> memref<128xi32, #tpu.memory_space<vmem>>
    %dma_wait3A_464 = arith.constant 0 : i32
    %dma_wait3A_465 = arith.constant 0 : i32
    %dma_wait3A_466 = tpu.memref_slice %arg3[%dma_wait3A_459, %dma_wait3A_464, %dma_wait3A_465] : memref<26x100000x128xf32, #tpu.memory_space<hbm>> -> memref<1x100000x128xf32, #tpu.memory_space<hbm>>
    %dma_wait3A_467 = tpu.memref_squeeze %dma_wait3A_466 : memref<1x100000x128xf32, #tpu.memory_space<hbm>> -> memref<100000x128xf32, #tpu.memory_space<hbm>>
    %dma_wait3A_468 = arith.constant 0 : i32
    %dma_wait3A_469 = arith.constant 0 : i32
    %dma_wait3A_470 = tpu.memref_slice %dma_wait3A_467[%dma_wait3A_468, %dma_wait3A_469] : memref<100000x128xf32, #tpu.memory_space<hbm>> -> memref<100000x128xf32, #tpu.memory_space<hbm>>
    tpu.wait_indirect_dma semaphore(%arg8 : memref<!tpu.dma_semaphore, #tpu.memory_space<semaphore_mem>>) src(%dma_wait3A_470 : memref<100000x128xf32, #tpu.memory_space<hbm>>) dst(%arg6 : memref<128x128xf32, #tpu.memory_space<vmem>>)
    %dma_wait3A_471 = arith.constant 12 : i32
    %dma_wait3A_472 = arith.constant 12 : i32
    %dma_wait3A_473 = arith.constant 0 : i32
    %dma_wait3A_474 = tpu.memref_slice %arg5[%dma_wait3A_472, %dma_wait3A_473] : memref<26x128xi32, #tpu.memory_space<vmem>> -> memref<1x128xi32, #tpu.memory_space<vmem>>
    %dma_wait3A_475 = tpu.memref_squeeze %dma_wait3A_474 : memref<1x128xi32, #tpu.memory_space<vmem>> -> memref<128xi32, #tpu.memory_space<vmem>>
    %dma_wait3A_476 = arith.constant 0 : i32
    %dma_wait3A_477 = arith.constant 0 : i32
    %dma_wait3A_478 = tpu.memref_slice %arg3[%dma_wait3A_471, %dma_wait3A_476, %dma_wait3A_477] : memref<26x100000x128xf32, #tpu.memory_space<hbm>> -> memref<1x100000x128xf32, #tpu.memory_space<hbm>>
    %dma_wait3A_479 = tpu.memref_squeeze %dma_wait3A_478 : memref<1x100000x128xf32, #tpu.memory_space<hbm>> -> memref<100000x128xf32, #tpu.memory_space<hbm>>
    %dma_wait3A_480 = arith.constant 0 : i32
    %dma_wait3A_481 = arith.constant 0 : i32
    %dma_wait3A_482 = tpu.memref_slice %dma_wait3A_479[%dma_wait3A_480, %dma_wait3A_481] : memref<100000x128xf32, #tpu.memory_space<hbm>> -> memref<100000x128xf32, #tpu.memory_space<hbm>>
    tpu.wait_indirect_dma semaphore(%arg8 : memref<!tpu.dma_semaphore, #tpu.memory_space<semaphore_mem>>) src(%dma_wait3A_482 : memref<100000x128xf32, #tpu.memory_space<hbm>>) dst(%arg6 : memref<128x128xf32, #tpu.memory_space<vmem>>)
    %dma_wait3A_483 = arith.constant 13 : i32
    %dma_wait3A_484 = arith.constant 13 : i32
    %dma_wait3A_485 = arith.constant 0 : i32
    %dma_wait3A_486 = tpu.memref_slice %arg5[%dma_wait3A_484, %dma_wait3A_485] : memref<26x128xi32, #tpu.memory_space<vmem>> -> memref<1x128xi32, #tpu.memory_space<vmem>>
    %dma_wait3A_487 = tpu.memref_squeeze %dma_wait3A_486 : memref<1x128xi32, #tpu.memory_space<vmem>> -> memref<128xi32, #tpu.memory_space<vmem>>
    %dma_wait3A_488 = arith.constant 0 : i32
    %dma_wait3A_489 = arith.constant 0 : i32
    %dma_wait3A_490 = tpu.memref_slice %arg3[%dma_wait3A_483, %dma_wait3A_488, %dma_wait3A_489] : memref<26x100000x128xf32, #tpu.memory_space<hbm>> -> memref<1x100000x128xf32, #tpu.memory_space<hbm>>
    %dma_wait3A_491 = tpu.memref_squeeze %dma_wait3A_490 : memref<1x100000x128xf32, #tpu.memory_space<hbm>> -> memref<100000x128xf32, #tpu.memory_space<hbm>>
    %dma_wait3A_492 = arith.constant 0 : i32
    %dma_wait3A_493 = arith.constant 0 : i32
    %dma_wait3A_494 = tpu.memref_slice %dma_wait3A_491[%dma_wait3A_492, %dma_wait3A_493] : memref<100000x128xf32, #tpu.memory_space<hbm>> -> memref<100000x128xf32, #tpu.memory_space<hbm>>
    tpu.wait_indirect_dma semaphore(%arg8 : memref<!tpu.dma_semaphore, #tpu.memory_space<semaphore_mem>>) src(%dma_wait3A_494 : memref<100000x128xf32, #tpu.memory_space<hbm>>) dst(%arg6 : memref<128x128xf32, #tpu.memory_space<vmem>>)
    %dma_wait3A_495 = arith.constant 14 : i32
    %dma_wait3A_496 = arith.constant 14 : i32
    %dma_wait3A_497 = arith.constant 0 : i32
    %dma_wait3A_498 = tpu.memref_slice %arg5[%dma_wait3A_496, %dma_wait3A_497] : memref<26x128xi32, #tpu.memory_space<vmem>> -> memref<1x128xi32, #tpu.memory_space<vmem>>
    %dma_wait3A_499 = tpu.memref_squeeze %dma_wait3A_498 : memref<1x128xi32, #tpu.memory_space<vmem>> -> memref<128xi32, #tpu.memory_space<vmem>>
    %dma_wait3A_500 = arith.constant 0 : i32
    %dma_wait3A_501 = arith.constant 0 : i32
    %dma_wait3A_502 = tpu.memref_slice %arg3[%dma_wait3A_495, %dma_wait3A_500, %dma_wait3A_501] : memref<26x100000x128xf32, #tpu.memory_space<hbm>> -> memref<1x100000x128xf32, #tpu.memory_space<hbm>>
    %dma_wait3A_503 = tpu.memref_squeeze %dma_wait3A_502 : memref<1x100000x128xf32, #tpu.memory_space<hbm>> -> memref<100000x128xf32, #tpu.memory_space<hbm>>
    %dma_wait3A_504 = arith.constant 0 : i32
    %dma_wait3A_505 = arith.constant 0 : i32
    %dma_wait3A_506 = tpu.memref_slice %dma_wait3A_503[%dma_wait3A_504, %dma_wait3A_505] : memref<100000x128xf32, #tpu.memory_space<hbm>> -> memref<100000x128xf32, #tpu.memory_space<hbm>>
    tpu.wait_indirect_dma semaphore(%arg8 : memref<!tpu.dma_semaphore, #tpu.memory_space<semaphore_mem>>) src(%dma_wait3A_506 : memref<100000x128xf32, #tpu.memory_space<hbm>>) dst(%arg6 : memref<128x128xf32, #tpu.memory_space<vmem>>)
    %dma_wait3A_507 = arith.constant 15 : i32
    %dma_wait3A_508 = arith.constant 15 : i32
    %dma_wait3A_509 = arith.constant 0 : i32
    %dma_wait3A_510 = tpu.memref_slice %arg5[%dma_wait3A_508, %dma_wait3A_509] : memref<26x128xi32, #tpu.memory_space<vmem>> -> memref<1x128xi32, #tpu.memory_space<vmem>>
    %dma_wait3A_511 = tpu.memref_squeeze %dma_wait3A_510 : memref<1x128xi32, #tpu.memory_space<vmem>> -> memref<128xi32, #tpu.memory_space<vmem>>
    %dma_wait3A_512 = arith.constant 0 : i32
    %dma_wait3A_513 = arith.constant 0 : i32
    %dma_wait3A_514 = tpu.memref_slice %arg3[%dma_wait3A_507, %dma_wait3A_512, %dma_wait3A_513] : memref<26x100000x128xf32, #tpu.memory_space<hbm>> -> memref<1x100000x128xf32, #tpu.memory_space<hbm>>
    %dma_wait3A_515 = tpu.memref_squeeze %dma_wait3A_514 : memref<1x100000x128xf32, #tpu.memory_space<hbm>> -> memref<100000x128xf32, #tpu.memory_space<hbm>>
    %dma_wait3A_516 = arith.constant 0 : i32
    %dma_wait3A_517 = arith.constant 0 : i32
    %dma_wait3A_518 = tpu.memref_slice %dma_wait3A_515[%dma_wait3A_516, %dma_wait3A_517] : memref<100000x128xf32, #tpu.memory_space<hbm>> -> memref<100000x128xf32, #tpu.memory_space<hbm>>
    tpu.wait_indirect_dma semaphore(%arg8 : memref<!tpu.dma_semaphore, #tpu.memory_space<semaphore_mem>>) src(%dma_wait3A_518 : memref<100000x128xf32, #tpu.memory_space<hbm>>) dst(%arg6 : memref<128x128xf32, #tpu.memory_space<vmem>>)
    %dma_wait3A_519 = arith.constant 16 : i32
    %dma_wait3A_520 = arith.constant 16 : i32
    %dma_wait3A_521 = arith.constant 0 : i32
    %dma_wait3A_522 = tpu.memref_slice %arg5[%dma_wait3A_520, %dma_wait3A_521] : memref<26x128xi32, #tpu.memory_space<vmem>> -> memref<1x128xi32, #tpu.memory_space<vmem>>
    %dma_wait3A_523 = tpu.memref_squeeze %dma_wait3A_522 : memref<1x128xi32, #tpu.memory_space<vmem>> -> memref<128xi32, #tpu.memory_space<vmem>>
    %dma_wait3A_524 = arith.constant 0 : i32
    %dma_wait3A_525 = arith.constant 0 : i32
    %dma_wait3A_526 = tpu.memref_slice %arg3[%dma_wait3A_519, %dma_wait3A_524, %dma_wait3A_525] : memref<26x100000x128xf32, #tpu.memory_space<hbm>> -> memref<1x100000x128xf32, #tpu.memory_space<hbm>>
    %dma_wait3A_527 = tpu.memref_squeeze %dma_wait3A_526 : memref<1x100000x128xf32, #tpu.memory_space<hbm>> -> memref<100000x128xf32, #tpu.memory_space<hbm>>
    %dma_wait3A_528 = arith.constant 0 : i32
    %dma_wait3A_529 = arith.constant 0 : i32
    %dma_wait3A_530 = tpu.memref_slice %dma_wait3A_527[%dma_wait3A_528, %dma_wait3A_529] : memref<100000x128xf32, #tpu.memory_space<hbm>> -> memref<100000x128xf32, #tpu.memory_space<hbm>>
    tpu.wait_indirect_dma semaphore(%arg8 : memref<!tpu.dma_semaphore, #tpu.memory_space<semaphore_mem>>) src(%dma_wait3A_530 : memref<100000x128xf32, #tpu.memory_space<hbm>>) dst(%arg6 : memref<128x128xf32, #tpu.memory_space<vmem>>)
    %dma_wait3A_531 = arith.constant 17 : i32
    %dma_wait3A_532 = arith.constant 17 : i32
    %dma_wait3A_533 = arith.constant 0 : i32
    %dma_wait3A_534 = tpu.memref_slice %arg5[%dma_wait3A_532, %dma_wait3A_533] : memref<26x128xi32, #tpu.memory_space<vmem>> -> memref<1x128xi32, #tpu.memory_space<vmem>>
    %dma_wait3A_535 = tpu.memref_squeeze %dma_wait3A_534 : memref<1x128xi32, #tpu.memory_space<vmem>> -> memref<128xi32, #tpu.memory_space<vmem>>
    %dma_wait3A_536 = arith.constant 0 : i32
    %dma_wait3A_537 = arith.constant 0 : i32
    %dma_wait3A_538 = tpu.memref_slice %arg3[%dma_wait3A_531, %dma_wait3A_536, %dma_wait3A_537] : memref<26x100000x128xf32, #tpu.memory_space<hbm>> -> memref<1x100000x128xf32, #tpu.memory_space<hbm>>
    %dma_wait3A_539 = tpu.memref_squeeze %dma_wait3A_538 : memref<1x100000x128xf32, #tpu.memory_space<hbm>> -> memref<100000x128xf32, #tpu.memory_space<hbm>>
    %dma_wait3A_540 = arith.constant 0 : i32
    %dma_wait3A_541 = arith.constant 0 : i32
    %dma_wait3A_542 = tpu.memref_slice %dma_wait3A_539[%dma_wait3A_540, %dma_wait3A_541] : memref<100000x128xf32, #tpu.memory_space<hbm>> -> memref<100000x128xf32, #tpu.memory_space<hbm>>
    tpu.wait_indirect_dma semaphore(%arg8 : memref<!tpu.dma_semaphore, #tpu.memory_space<semaphore_mem>>) src(%dma_wait3A_542 : memref<100000x128xf32, #tpu.memory_space<hbm>>) dst(%arg6 : memref<128x128xf32, #tpu.memory_space<vmem>>)
    %dma_wait3A_543 = arith.constant 18 : i32
    %dma_wait3A_544 = arith.constant 18 : i32
    %dma_wait3A_545 = arith.constant 0 : i32
    %dma_wait3A_546 = tpu.memref_slice %arg5[%dma_wait3A_544, %dma_wait3A_545] : memref<26x128xi32, #tpu.memory_space<vmem>> -> memref<1x128xi32, #tpu.memory_space<vmem>>
    %dma_wait3A_547 = tpu.memref_squeeze %dma_wait3A_546 : memref<1x128xi32, #tpu.memory_space<vmem>> -> memref<128xi32, #tpu.memory_space<vmem>>
    %dma_wait3A_548 = arith.constant 0 : i32
    %dma_wait3A_549 = arith.constant 0 : i32
    %dma_wait3A_550 = tpu.memref_slice %arg3[%dma_wait3A_543, %dma_wait3A_548, %dma_wait3A_549] : memref<26x100000x128xf32, #tpu.memory_space<hbm>> -> memref<1x100000x128xf32, #tpu.memory_space<hbm>>
    %dma_wait3A_551 = tpu.memref_squeeze %dma_wait3A_550 : memref<1x100000x128xf32, #tpu.memory_space<hbm>> -> memref<100000x128xf32, #tpu.memory_space<hbm>>
    %dma_wait3A_552 = arith.constant 0 : i32
    %dma_wait3A_553 = arith.constant 0 : i32
    %dma_wait3A_554 = tpu.memref_slice %dma_wait3A_551[%dma_wait3A_552, %dma_wait3A_553] : memref<100000x128xf32, #tpu.memory_space<hbm>> -> memref<100000x128xf32, #tpu.memory_space<hbm>>
    tpu.wait_indirect_dma semaphore(%arg8 : memref<!tpu.dma_semaphore, #tpu.memory_space<semaphore_mem>>) src(%dma_wait3A_554 : memref<100000x128xf32, #tpu.memory_space<hbm>>) dst(%arg6 : memref<128x128xf32, #tpu.memory_space<vmem>>)
    %dma_wait3A_555 = arith.constant 19 : i32
    %dma_wait3A_556 = arith.constant 19 : i32
    %dma_wait3A_557 = arith.constant 0 : i32
    %dma_wait3A_558 = tpu.memref_slice %arg5[%dma_wait3A_556, %dma_wait3A_557] : memref<26x128xi32, #tpu.memory_space<vmem>> -> memref<1x128xi32, #tpu.memory_space<vmem>>
    %dma_wait3A_559 = tpu.memref_squeeze %dma_wait3A_558 : memref<1x128xi32, #tpu.memory_space<vmem>> -> memref<128xi32, #tpu.memory_space<vmem>>
    %dma_wait3A_560 = arith.constant 0 : i32
    %dma_wait3A_561 = arith.constant 0 : i32
    %dma_wait3A_562 = tpu.memref_slice %arg3[%dma_wait3A_555, %dma_wait3A_560, %dma_wait3A_561] : memref<26x100000x128xf32, #tpu.memory_space<hbm>> -> memref<1x100000x128xf32, #tpu.memory_space<hbm>>
    %dma_wait3A_563 = tpu.memref_squeeze %dma_wait3A_562 : memref<1x100000x128xf32, #tpu.memory_space<hbm>> -> memref<100000x128xf32, #tpu.memory_space<hbm>>
    %dma_wait3A_564 = arith.constant 0 : i32
    %dma_wait3A_565 = arith.constant 0 : i32
    %dma_wait3A_566 = tpu.memref_slice %dma_wait3A_563[%dma_wait3A_564, %dma_wait3A_565] : memref<100000x128xf32, #tpu.memory_space<hbm>> -> memref<100000x128xf32, #tpu.memory_space<hbm>>
    tpu.wait_indirect_dma semaphore(%arg8 : memref<!tpu.dma_semaphore, #tpu.memory_space<semaphore_mem>>) src(%dma_wait3A_566 : memref<100000x128xf32, #tpu.memory_space<hbm>>) dst(%arg6 : memref<128x128xf32, #tpu.memory_space<vmem>>)
    %dma_wait3A_567 = arith.constant 20 : i32
    %dma_wait3A_568 = arith.constant 20 : i32
    %dma_wait3A_569 = arith.constant 0 : i32
    %dma_wait3A_570 = tpu.memref_slice %arg5[%dma_wait3A_568, %dma_wait3A_569] : memref<26x128xi32, #tpu.memory_space<vmem>> -> memref<1x128xi32, #tpu.memory_space<vmem>>
    %dma_wait3A_571 = tpu.memref_squeeze %dma_wait3A_570 : memref<1x128xi32, #tpu.memory_space<vmem>> -> memref<128xi32, #tpu.memory_space<vmem>>
    %dma_wait3A_572 = arith.constant 0 : i32
    %dma_wait3A_573 = arith.constant 0 : i32
    %dma_wait3A_574 = tpu.memref_slice %arg3[%dma_wait3A_567, %dma_wait3A_572, %dma_wait3A_573] : memref<26x100000x128xf32, #tpu.memory_space<hbm>> -> memref<1x100000x128xf32, #tpu.memory_space<hbm>>
    %dma_wait3A_575 = tpu.memref_squeeze %dma_wait3A_574 : memref<1x100000x128xf32, #tpu.memory_space<hbm>> -> memref<100000x128xf32, #tpu.memory_space<hbm>>
    %dma_wait3A_576 = arith.constant 0 : i32
    %dma_wait3A_577 = arith.constant 0 : i32
    %dma_wait3A_578 = tpu.memref_slice %dma_wait3A_575[%dma_wait3A_576, %dma_wait3A_577] : memref<100000x128xf32, #tpu.memory_space<hbm>> -> memref<100000x128xf32, #tpu.memory_space<hbm>>
    tpu.wait_indirect_dma semaphore(%arg8 : memref<!tpu.dma_semaphore, #tpu.memory_space<semaphore_mem>>) src(%dma_wait3A_578 : memref<100000x128xf32, #tpu.memory_space<hbm>>) dst(%arg6 : memref<128x128xf32, #tpu.memory_space<vmem>>)
    %dma_wait3A_579 = arith.constant 21 : i32
    %dma_wait3A_580 = arith.constant 21 : i32
    %dma_wait3A_581 = arith.constant 0 : i32
    %dma_wait3A_582 = tpu.memref_slice %arg5[%dma_wait3A_580, %dma_wait3A_581] : memref<26x128xi32, #tpu.memory_space<vmem>> -> memref<1x128xi32, #tpu.memory_space<vmem>>
    %dma_wait3A_583 = tpu.memref_squeeze %dma_wait3A_582 : memref<1x128xi32, #tpu.memory_space<vmem>> -> memref<128xi32, #tpu.memory_space<vmem>>
    %dma_wait3A_584 = arith.constant 0 : i32
    %dma_wait3A_585 = arith.constant 0 : i32
    %dma_wait3A_586 = tpu.memref_slice %arg3[%dma_wait3A_579, %dma_wait3A_584, %dma_wait3A_585] : memref<26x100000x128xf32, #tpu.memory_space<hbm>> -> memref<1x100000x128xf32, #tpu.memory_space<hbm>>
    %dma_wait3A_587 = tpu.memref_squeeze %dma_wait3A_586 : memref<1x100000x128xf32, #tpu.memory_space<hbm>> -> memref<100000x128xf32, #tpu.memory_space<hbm>>
    %dma_wait3A_588 = arith.constant 0 : i32
    %dma_wait3A_589 = arith.constant 0 : i32
    %dma_wait3A_590 = tpu.memref_slice %dma_wait3A_587[%dma_wait3A_588, %dma_wait3A_589] : memref<100000x128xf32, #tpu.memory_space<hbm>> -> memref<100000x128xf32, #tpu.memory_space<hbm>>
    tpu.wait_indirect_dma semaphore(%arg8 : memref<!tpu.dma_semaphore, #tpu.memory_space<semaphore_mem>>) src(%dma_wait3A_590 : memref<100000x128xf32, #tpu.memory_space<hbm>>) dst(%arg6 : memref<128x128xf32, #tpu.memory_space<vmem>>)
    %dma_wait3A_591 = arith.constant 22 : i32
    %dma_wait3A_592 = arith.constant 22 : i32
    %dma_wait3A_593 = arith.constant 0 : i32
    %dma_wait3A_594 = tpu.memref_slice %arg5[%dma_wait3A_592, %dma_wait3A_593] : memref<26x128xi32, #tpu.memory_space<vmem>> -> memref<1x128xi32, #tpu.memory_space<vmem>>
    %dma_wait3A_595 = tpu.memref_squeeze %dma_wait3A_594 : memref<1x128xi32, #tpu.memory_space<vmem>> -> memref<128xi32, #tpu.memory_space<vmem>>
    %dma_wait3A_596 = arith.constant 0 : i32
    %dma_wait3A_597 = arith.constant 0 : i32
    %dma_wait3A_598 = tpu.memref_slice %arg3[%dma_wait3A_591, %dma_wait3A_596, %dma_wait3A_597] : memref<26x100000x128xf32, #tpu.memory_space<hbm>> -> memref<1x100000x128xf32, #tpu.memory_space<hbm>>
    %dma_wait3A_599 = tpu.memref_squeeze %dma_wait3A_598 : memref<1x100000x128xf32, #tpu.memory_space<hbm>> -> memref<100000x128xf32, #tpu.memory_space<hbm>>
    %dma_wait3A_600 = arith.constant 0 : i32
    %dma_wait3A_601 = arith.constant 0 : i32
    %dma_wait3A_602 = tpu.memref_slice %dma_wait3A_599[%dma_wait3A_600, %dma_wait3A_601] : memref<100000x128xf32, #tpu.memory_space<hbm>> -> memref<100000x128xf32, #tpu.memory_space<hbm>>
    tpu.wait_indirect_dma semaphore(%arg8 : memref<!tpu.dma_semaphore, #tpu.memory_space<semaphore_mem>>) src(%dma_wait3A_602 : memref<100000x128xf32, #tpu.memory_space<hbm>>) dst(%arg6 : memref<128x128xf32, #tpu.memory_space<vmem>>)
    %dma_wait3A_603 = arith.constant 23 : i32
    %dma_wait3A_604 = arith.constant 23 : i32
    %dma_wait3A_605 = arith.constant 0 : i32
    %dma_wait3A_606 = tpu.memref_slice %arg5[%dma_wait3A_604, %dma_wait3A_605] : memref<26x128xi32, #tpu.memory_space<vmem>> -> memref<1x128xi32, #tpu.memory_space<vmem>>
    %dma_wait3A_607 = tpu.memref_squeeze %dma_wait3A_606 : memref<1x128xi32, #tpu.memory_space<vmem>> -> memref<128xi32, #tpu.memory_space<vmem>>
    %dma_wait3A_608 = arith.constant 0 : i32
    %dma_wait3A_609 = arith.constant 0 : i32
    %dma_wait3A_610 = tpu.memref_slice %arg3[%dma_wait3A_603, %dma_wait3A_608, %dma_wait3A_609] : memref<26x100000x128xf32, #tpu.memory_space<hbm>> -> memref<1x100000x128xf32, #tpu.memory_space<hbm>>
    %dma_wait3A_611 = tpu.memref_squeeze %dma_wait3A_610 : memref<1x100000x128xf32, #tpu.memory_space<hbm>> -> memref<100000x128xf32, #tpu.memory_space<hbm>>
    %dma_wait3A_612 = arith.constant 0 : i32
    %dma_wait3A_613 = arith.constant 0 : i32
    %dma_wait3A_614 = tpu.memref_slice %dma_wait3A_611[%dma_wait3A_612, %dma_wait3A_613] : memref<100000x128xf32, #tpu.memory_space<hbm>> -> memref<100000x128xf32, #tpu.memory_space<hbm>>
    tpu.wait_indirect_dma semaphore(%arg8 : memref<!tpu.dma_semaphore, #tpu.memory_space<semaphore_mem>>) src(%dma_wait3A_614 : memref<100000x128xf32, #tpu.memory_space<hbm>>) dst(%arg6 : memref<128x128xf32, #tpu.memory_space<vmem>>)
    %dma_wait3A_615 = arith.constant 24 : i32
    %dma_wait3A_616 = arith.constant 24 : i32
    %dma_wait3A_617 = arith.constant 0 : i32
    %dma_wait3A_618 = tpu.memref_slice %arg5[%dma_wait3A_616, %dma_wait3A_617] : memref<26x128xi32, #tpu.memory_space<vmem>> -> memref<1x128xi32, #tpu.memory_space<vmem>>
    %dma_wait3A_619 = tpu.memref_squeeze %dma_wait3A_618 : memref<1x128xi32, #tpu.memory_space<vmem>> -> memref<128xi32, #tpu.memory_space<vmem>>
    %dma_wait3A_620 = arith.constant 0 : i32
    %dma_wait3A_621 = arith.constant 0 : i32
    %dma_wait3A_622 = tpu.memref_slice %arg3[%dma_wait3A_615, %dma_wait3A_620, %dma_wait3A_621] : memref<26x100000x128xf32, #tpu.memory_space<hbm>> -> memref<1x100000x128xf32, #tpu.memory_space<hbm>>
    %dma_wait3A_623 = tpu.memref_squeeze %dma_wait3A_622 : memref<1x100000x128xf32, #tpu.memory_space<hbm>> -> memref<100000x128xf32, #tpu.memory_space<hbm>>
    %dma_wait3A_624 = arith.constant 0 : i32
    %dma_wait3A_625 = arith.constant 0 : i32
    %dma_wait3A_626 = tpu.memref_slice %dma_wait3A_623[%dma_wait3A_624, %dma_wait3A_625] : memref<100000x128xf32, #tpu.memory_space<hbm>> -> memref<100000x128xf32, #tpu.memory_space<hbm>>
    tpu.wait_indirect_dma semaphore(%arg8 : memref<!tpu.dma_semaphore, #tpu.memory_space<semaphore_mem>>) src(%dma_wait3A_626 : memref<100000x128xf32, #tpu.memory_space<hbm>>) dst(%arg6 : memref<128x128xf32, #tpu.memory_space<vmem>>)
    %dma_wait3A_627 = arith.constant 25 : i32
    %dma_wait3A_628 = arith.constant 25 : i32
    %dma_wait3A_629 = arith.constant 0 : i32
    %dma_wait3A_630 = tpu.memref_slice %arg5[%dma_wait3A_628, %dma_wait3A_629] : memref<26x128xi32, #tpu.memory_space<vmem>> -> memref<1x128xi32, #tpu.memory_space<vmem>>
    %dma_wait3A_631 = tpu.memref_squeeze %dma_wait3A_630 : memref<1x128xi32, #tpu.memory_space<vmem>> -> memref<128xi32, #tpu.memory_space<vmem>>
    %dma_wait3A_632 = arith.constant 0 : i32
    %dma_wait3A_633 = arith.constant 0 : i32
    %dma_wait3A_634 = tpu.memref_slice %arg3[%dma_wait3A_627, %dma_wait3A_632, %dma_wait3A_633] : memref<26x100000x128xf32, #tpu.memory_space<hbm>> -> memref<1x100000x128xf32, #tpu.memory_space<hbm>>
    %dma_wait3A_635 = tpu.memref_squeeze %dma_wait3A_634 : memref<1x100000x128xf32, #tpu.memory_space<hbm>> -> memref<100000x128xf32, #tpu.memory_space<hbm>>
    %dma_wait3A_636 = arith.constant 0 : i32
    %dma_wait3A_637 = arith.constant 0 : i32
    %dma_wait3A_638 = tpu.memref_slice %dma_wait3A_635[%dma_wait3A_636, %dma_wait3A_637] : memref<100000x128xf32, #tpu.memory_space<hbm>> -> memref<100000x128xf32, #tpu.memory_space<hbm>>
    tpu.wait_indirect_dma semaphore(%arg8 : memref<!tpu.dma_semaphore, #tpu.memory_space<semaphore_mem>>) src(%dma_wait3A_638 : memref<100000x128xf32, #tpu.memory_space<hbm>>) dst(%arg6 : memref<128x128xf32, #tpu.memory_space<vmem>>)
    "tpu.region"() ({
      %run_scoped3A = tpu.sem_alloc : memref<!tpu.dma_semaphore, #tpu.memory_space<semaphore_mem>>
      %dma_start3A_639 = arith.constant 0 : i32
      %dma_start3A_640 = tpu.memref_slice %arg4[%mul3A_2, %dma_start3A_639] : memref<4096x128xf32, #tpu.memory_space<hbm>> -> memref<128x128xf32, #tpu.memory_space<hbm>>
      %dma_start3A_641 = arith.constant 0 : i32
      %dma_start3A_642 = tpu.memref_slice %arg4[%mul3A_2, %dma_start3A_641] : memref<4096x128xf32, #tpu.memory_space<hbm>> -> memref<128x128xf32, #tpu.memory_space<hbm>>
      tpu.enqueue_dma source(%arg6 : memref<128x128xf32, #tpu.memory_space<vmem>>) target(%dma_start3A_642 : memref<128x128xf32, #tpu.memory_space<hbm>>) target_semaphore(%run_scoped3A : memref<!tpu.dma_semaphore, #tpu.memory_space<semaphore_mem>>)
      %dma_wait3A_643 = arith.constant 0 : i32
      %dma_wait3A_644 = tpu.memref_slice %arg4[%mul3A_2, %dma_wait3A_643] : memref<4096x128xf32, #tpu.memory_space<hbm>> -> memref<128x128xf32, #tpu.memory_space<hbm>>
      %dma_wait3A_645 = arith.constant 0 : i32
      %dma_wait3A_646 = tpu.memref_slice %arg4[%mul3A_2, %dma_wait3A_645] : memref<4096x128xf32, #tpu.memory_space<hbm>> -> memref<128x128xf32, #tpu.memory_space<hbm>>
      tpu.wait_dma2 semaphore(%run_scoped3A : memref<!tpu.dma_semaphore, #tpu.memory_space<semaphore_mem>>) src(%arg6 : memref<128x128xf32, #tpu.memory_space<vmem>>) dst(%dma_wait3A_646 : memref<128x128xf32, #tpu.memory_space<hbm>>)
      tpu.yield
    }) : () -> ()
    return
  }
}

</mosaic_0001>

<sc_bundles>
// kernel: kernel.3.cloned.1.call-start
scs
__scs_entry_jumppad:
0x0: {  	(pc) =	sbr.rel $0x88, $3  }
0x1: {  	(tag) =	ssettag $0x0;
	lr =	simm.s32 $0x1  }
0x2: {  	[smem:$0x3F9F] =	sst lr;
	_ =	strace $0xD0000000  }
0x3: {  	_ = 	snop  }
0x4: {  	_ = 	snop  }
0x5: {  	_ = 	snop  }
0x6: {  	_ = 	snop  }
0x7: {  	_ = 	snop  }
__scs_overlays_trampoline_lowered:
0x8: {  	[smem:$0x3FAE] =	sst s0  }
0x9: {  	[smem:$0x3FAF] =	sst s1  }
0xa: {  	[smem:$0x3FB0] =	sst s2  }
0xb: {  	[smem:$0x3FB1] =	sst s3  }
0xc: {  	[smem:$0x3FB2] =	sst s4  }
0xd: {  	[smem:$0x3FB3] =	sst s5  }
0xe: {  	[smem:$0x3FB4] =	sst s6  }
0xf: {  	[smem:$0x3FB5] =	sst s7  }
0x10: {  	[smem:$0x3FB6] =	sst s8  }
0x11: {  	[smem:$0x3FB7] =	sst s9;
	s0 =	simm.s32 @!p0 $0x0  }
0x12: {  	s1 =	sld [smem:$0x3F9D];
	s0 =	simm.s32 @p0 $0x1  }
0x13: {  	[smem:$0x3FB8] =	sst s0;
	s0 =	simm.s32 @!p1 $0x0  }
0x14: {  	s2 =	sld [smem:$0x3F9C];
	s0 =	simm.s32 @p1 $0x1  }
0x15: {  	[smem:$0x3FB9] =	sst s0;
	s0 =	simm.s32 @!p2 $0x0  }
0x16: {  	s3 =	sld [smem:$0x3FDB];
	s0 =	simm.s32 @p2 $0x1  }
0x17: {  	s4 =	simm.s32 $0x1BF5;
	[smem:$0x3FBB] =	sst s0  }
0x18: {  	s0 =	sld [smem:$0x3F9E];
	_ =	swait.ge [sflag:s4], $0x0  }
0x19: {  	s7 =	sld [smem:$0x3F9F]  }
0x1a: {  	s8 =	sadd.s32 $0xFFFFE003, lr  }
0x1b: {  	s9 =	sadd.s32 $0xFFFFFEF7, lr;
	s5 =	simm.s32 $0xFFFFFFFF;
	p2 =	slt.u32 s8, $0xFFFFF086  }
0x1c: {  	p1 =	slt.u32 s9, $0xF7A;
	s5 =	simm.s32 @!p2 $0x0  }
0x1d: {  	s5 =	simm.s32 @p1 $0x1;
	p0 =	seq.s32 s7, s2  }
0x1e: {  	s7 =	smul.u32 @!p0 $0xF7A, s2;
	p2 =	seq.s32 @!p0 s5, $0x0  }
0x1f: {  	s9 =	smul.u32 $0xF7A, s1;
	s8 =	simm.s32 @!p0 $0x1BF5;
	p2 =	por !p2, p0  }
0x20: {  	[sflag:s8] =	ssyncset.s32 @!p0 $0xFFFFF086;
	s6 =	sadd.s32 @!p0 s3, s7;
	s7 =	simm.s32 @!p0 $0x108  }
0x21: {  	s3 =	sadd.s32 s3, s9;
	s6 =	sadd.s32 @!p0 $0x88, s6;
	s7 =	simm.s32 @p2 $0x1082  }
0x22: {  	[simem:s7], [sflag:s8] =	dma.local @!p0 [hbm:s6], $0xF7A  }
0x23: {  	s9 =	sor.u32 $0xD0000000, s2;
	s6 =	simm.s32 $0x108;
	_ =	swait.ge @!p0 [sflag:s8], $0x0  }
0x24: {  	s3 =	sadd.s32 $0x88, s3;
	s6 =	simm.s32 @!p1 $0x1082;
	[sflag:s4] =	ssyncset.s32 $0xFFFFF086  }
0x25: {  	[simem:s6], [sflag:s4] =	dma.local [hbm:s3], $0xF7A  }
0x26: {  	[smem:$0x3F9F] =	sst s1;
	(tag) =	ssettag s2;
	_ =	strace s9  }
0x27: {  	s1 =	sld [smem:$0x3FAF]  }
0x28: {  	s2 =	sld [smem:$0x3FB0]  }
0x29: {  	s4 =	sld [smem:$0x3FB2]  }
0x2a: {  	p0 =	seq.s32 s5, $0x0;
	s5 =	sld [smem:$0x3FB3]  }
0x2b: {  	s6 =	sld [smem:$0x3FB4]  }
0x2c: {  	s7 =	sld [smem:$0x3FB5]  }
0x2d: {  	s3 =	simm.s32 $0x108;
	s8 =	sld [smem:$0x3FB6]  }
0x2e: {  	s3 =	simm.s32 @!p0 $0x1082;
	s9 =	sld [smem:$0x3FB7]  }
0x2f: {  	lr =	sadd.s32 s0, s3;
	s0 =	sld [smem:$0x3FAE]  }
0x30: {  	s3 =	sld [smem:$0x3FB1]  }
0x31: {  	[smem:$0x3FBA] =	sst s10  }
0x32: {  	s10 =	sld [smem:$0x3FB8];
	_ =	sdelay $0x3  }
0x33: {  	p0 =	seq.s32 s10, $0x1;
	s10 =	sld [smem:$0x3FBA];
	_ =	sdelay $0x3  }
0x34: {  	[smem:$0x3FBA] =	sst s10  }
0x35: {  	s10 =	sld [smem:$0x3FB9];
	_ =	sdelay $0x3  }
0x36: {  	p1 =	seq.s32 s10, $0x1;
	s10 =	sld [smem:$0x3FBA];
	_ =	sdelay $0x3  }
0x37: {  	[smem:$0x3FBA] =	sst s10  }
0x38: {  	s10 =	sld [smem:$0x3FBB]  }
0x39: {  	_ = 	snop;
	(pc) =	sbr.ind lr, $3  }
0x3a: {  	_ = 	snop  }
0x3b: {  	_ = 	snop  }
0x3c: {  	p2 =	seq.s32 s10, $0x1;
	s10 =	sld [smem:$0x3FBA]  }
0x3d: {  	_ =	shalt  }
0x3e: {  	_ =	shalt  }
0x3f: {  	_ =	shalt  }
0x40: {  	_ =	shalt  }
0x41: {  	_ =	shalt  }
0x42: {  	_ =	shalt  }
0x43: {  	_ =	shalt  }
0x44: {  	_ =	shalt  }
0x45: {  	_ =	shalt  }
0x46: {  	_ =	shalt  }
0x47: {  	_ =	shalt  }
0x48: {  	_ =	shalt  }
0x49: {  	_ =	shalt  }
0x4a: {  	_ =	shalt  }
0x4b: {  	_ =	shalt  }
0x4c: {  	_ =	shalt  }
0x4d: {  	_ =	shalt  }
0x4e: {  	_ =	shalt  }
0x4f: {  	_ =	shalt  }
0x50: {  	_ =	shalt  }
0x51: {  	_ =	shalt  }
0x52: {  	_ =	shalt  }
0x53: {  	_ =	shalt  }
0x54: {  	_ =	shalt  }
0x55: {  	_ =	shalt  }
0x56: {  	_ =	shalt  }
0x57: {  	_ =	shalt  }
0x58: {  	_ =	shalt  }
0x59: {  	_ =	shalt  }
0x5a: {  	_ =	shalt  }
0x5b: {  	_ =	shalt  }
0x5c: {  	_ =	shalt  }
0x5d: {  	_ =	shalt  }
0x5e: {  	_ =	shalt  }
0x5f: {  	_ =	shalt  }
0x60: {  	_ =	shalt  }
0x61: {  	_ =	shalt  }
0x62: {  	_ =	shalt  }
0x63: {  	_ =	shalt  }
0x64: {  	_ =	shalt  }
0x65: {  	_ =	shalt  }
0x66: {  	_ =	shalt  }
0x67: {  	_ =	shalt  }
0x68: {  	_ =	shalt  }
0x69: {  	_ =	shalt  }
0x6a: {  	_ =	shalt  }
0x6b: {  	_ =	shalt  }
0x6c: {  	_ =	shalt  }
0x6d: {  	_ =	shalt  }
0x6e: {  	_ =	shalt  }
0x6f: {  	_ =	shalt  }
0x70: {  	_ =	shalt  }
0x71: {  	_ =	shalt  }
0x72: {  	_ =	shalt  }
0x73: {  	_ =	shalt  }
0x74: {  	_ =	shalt  }
0x75: {  	_ =	shalt  }
0x76: {  	_ =	shalt  }
0x77: {  	_ =	shalt  }
0x78: {  	_ =	shalt  }
0x79: {  	_ =	shalt  }
0x7a: {  	_ =	shalt  }
0x7b: {  	_ =	shalt  }
0x7c: {  	_ =	shalt  }
0x7d: {  	_ =	shalt  }
0x7e: {  	_ =	shalt  }
0x7f: {  	_ =	shalt  }
0x80: {  	_ =	shalt  }
0x81: {  	_ =	shalt  }
0x82: {  	_ =	shalt  }
0x83: {  	_ =	shalt  }
0x84: {  	_ =	shalt  }
0x85: {  	_ =	shalt  }
0x86: {  	_ =	shalt  }
0x87: {  	_ =	shalt  }
.Lfunc_end0:
.L_simem_size_0:
called_computation_lowered:
.L_overlay_start_0:
0x88: {  	s2 =	sld [smem:$0x3FD9]  }
0x89: {  	s3 =	sld [smem:$0x3FFE];
	_ =	sdelay $0x1  }
0x8a: {  	s1 =	srdreg.scid  }
0x8b: {  	s0 =	sand.u32 $0x1, s1  }
0x8c: {  	s18 =	sshll.u32 s0, $0xA;
	s2 =	sadd.s32 s3, s2  }
0x8d: {  	s2 =	sadd.s32 s2, s18  }
0x8e: {  	[smem:$0x3FC6] =	sst s2  }
0x8f: {  	_ = 	snop  }
0x90: {  	s2 =	sld [smem:$0x3FC9]  }
0x91: {  	s19 =	sld [smem:$0x3FC8]  }
0x92: {  	s4 =	sld [smem:$0x3FD0];
	(tm) =	ssettm $0x1  }
0x93: {  	s5 =	sld [smem:$0x3FFB];
	_ =	sdelay $0x3  }
0x94: {  	_ =	strace s5  }
0x95: {  	s5 =	sld [smem:$0x3FFC];
	_ =	sdelay $0x3  }
0x96: {  	_ =	strace s5  }
0x97: {  	s5 =	sld [smem:$0x3FFD];
	_ =	sdelay $0x3  }
0x98: {  	_ =	strace s5  }
0x99: {  	_ =	strace $0x8FFFFFFF  }
0x9a: {  	s20 =	sld [smem:$0x3FDB];
	_ =	sdelay $0x1  }
0x9b: {  	s6 =	simm.s32 $_scs_section_size  }
0x9c: {  	s7 =	simm.s32 $_size__tile_overlayer_lowered;
	s8 =	simm.s32 $_tile_overlayer_lowered  }
0x9d: {  	s23 =	simm.s32 $0x1BFF;
	s22 =	sshll.u32 s8, $0x1;
	s5 =	sadd.s32 s6, s20  }
0x9e: {  	s9 =	simm.s32 $0x0;
	s21 =	sshll.u32 s7, $0x1;
	s7 =	sadd.s32 s22, s5  }
0x9f: {  	[timem:s9], [sflag:s23] =	dma.local [hbm:s7], s21  }
0xa0: {  	_ =	swait.ge [sflag:s23], s21  }
0xa1: {  	s6 =	ssub.s32 $0x0, s21;
	[sflag:s23] =	ssyncset.done $0x0  }
0xa2: {  	[sflag:s23] =	ssyncadd.s32 s6;
	_ =	sdelay $0x1  }
0xa3: {  	s24 =	simm.s32 $0x1B8B  }
0xa4: {  	_ =	swait.ge [sflag:s24], $0x1  }
0xa5: {  	[sflag:s24] =	ssyncset.done $0x0  }
0xa6: {  	s25 =	simm.s32 $0x1B8E;
	[sflag:s24] =	ssyncadd.s32 $0xFFFFFFFF  }
0xa7: {  	s26 =	simm.s32 $execute0_lowered;
	[smem:$0x3FD2] =	sst s25  }
0xa8: {  	s6 =	sshll.u32 s26, $0x1;
	_ =	strace $0x80000046;
	[dreg:$0x1] =	wrdreg $0xFFFFFFFF  }
0xa9: {  	s28 =	simm.s32 $_size_execute0_lowered;
	s5 =	sadd.s32 s5, s6;
	[dreg:$0x0] =	wrdreg $0x0  }
0xaa: {  	s6 =	sshll.u32 s28, $0x1;
	[dreg:$0x2] =	wrdreg s5  }
0xab: {  	[dreg:$0x3] =	wrdreg s6  }
0xac: {  	[dreg:$0x4] =	wrdreg $0xC0  }
0xad: {  	_ =	task [dreg:s9], $0x5FFFF  }
0xae: {  	[dreg:$0x1] =	wrdreg $0xFFFFFFFF  }
0xaf: {  	[dreg:$0x0] =	wrdreg $0x60  }
0xb0: {  	[dreg:$0x2] =	wrdreg s2  }
0xb1: {  	[dreg:$0x3] =	wrdreg s19  }
0xb2: {  	[dreg:$0x4] =	wrdreg s4  }
0xb3: {  	[dreg:$0x5] =	wrdreg $0x9  }
0xb4: {  	_ =	task.clear_ibuf [dreg:s9], $0x6FFFF;
	_ =	strace $0x90000046  }
0xb5: {  	s29 =	simm.s32 $0x9;
	_ =	strace $0x80000048  }
0xb6: {  	_ =	swait.ge [sflag:s29], $0x1  }
0xb7: {  	[sflag:s29] =	ssyncadd.s32 $0xFFFFFFFF  }
0xb8: {  	_ =	strace $0x90000048  }
0xb9: {  	_ =	sfence  }
0xba: {  	s30 =	sld [smem:$0x0];
	_ =	sdelay $0x2  }
0xbb: {  	s31 =	sshll.u32 s1, $0xD;
	s1 =	sshrl.u32 s1, $0x2  }
0xbc: {  	s3 =	sand.u32 $0x4000, s31;
	s1 =	sadd.s32 s1, s30  }
0xbd: {  	s0 =	sor.u32 s3, s0;
	s1 =	sshll.u32 s1, $0x11  }
0xbe: {  	s0 =	sor.u32 s1, s0  }
0xbf: {  	s0 =	sadd.s32 $0x8F2B, s0  }
0xc0: {  	[sflag:s0] =	ssyncadd.remote.s32 $0x1  }
0xc1: {  	_ =	sfence.sel $0xFFFF  }
0xc2: {  	[dreg:$0x0] =	wrdreg $0xFFFFFFFF;
	(pc) =	sbr.abs _section_cstart, $3  }
0xc3: {  	[dreg:$0x1] =	wrdreg $0xFFFFFFFF  }
0xc4: {  	_ =	task.clear_ibuf [dreg:s9], $0x2FFFF;
	_ =	strace $0x9FFFFFFF  }
0xc5: {  	(tm) =	ssettm $0x7FFFFFFF  }
tec
execute0_lowered:
.L_overlay_start_1:
0x0: {  	(tag) =	ssettag $0x1  }
0x1: {  	s0 =	rddreg [dreg:$0x0]  }
0x2: {  	s1 =	srdreg.scid;
	s6 =	rddreg [dreg:$0x1]  }
0x3: {  	s3 =	stileid.u32;
	s2 =	rddreg [dreg:$0x2]  }
0x4: {  	s7 =	simm.s32 $0x80;
	s8 =	simm.s32 $0x1000;
	s9 =	simm.s32 $0x2  }
0x5: {  	s10 =	simm.s32 $0x3;
	s18 =	sadd.s32 $0x186A00, s6;
	s19 =	sadd.s32 $0x30D400, s6  }
0x6: {  	s4 =	sshll.u32 s3, $0x8;
	s20 =	sadd.s32 $0x493E00, s6;
	s21 =	sadd.s32 $0x61A800, s6  }
0x7: {  	s3 =	simm.s32 $0x0;
	s22 =	sadd.s32 $0x7A1200, s6;
	s23 =	sadd.s32 $0x927C00, s6  }
0x8: {  	s1 =	sand.u32 $0x1, s1;
	s24 =	sadd.s32 $0xAAE600, s6;
	[smem:$0x7FF] =	sst s3  }
0x9: {  	s13 =	sadd.s32 $0xDBBA00, s6;
	_ =	strace $0x80000047;
	[dreg:$0x6] =	wrdreg s18  }
0xa: {  	s14 =	sadd.s32 $0xF42400, s6;
	s15 =	sadd.s32 $0x10C8E00, s6;
	[dreg:$0x7] =	wrdreg s19  }
0xb: {  	s16 =	sadd.s32 $0x124F800, s6;
	s17 =	sadd.s32 $0x13D6200, s6;
	[dreg:$0x8] =	wrdreg s20  }
0xc: {  	s28 =	sadd.s32 $0x200B200, s6;
	s30 =	sadd.s32 $0x2191C00, s6;
	[dreg:$0x9] =	wrdreg s21  }
0xd: {  	s31 =	sadd.s32 $0x2318600, s6;
	s5 =	sshll.u32 s1, $0x7;
	[dreg:$0xa] =	wrdreg s22  }
0xe: {  	s25 =	ssub.s32 $0x2, s1;
	s4 =	sor.u32 s5, s4;
	[dreg:$0xb] =	wrdreg s23  }
0xf: {  	[dreg:$0xc] =	wrdreg s24;
	s18 =	sadd.s32 $0x155CC00, s6;
	s19 =	sadd.s32 $0x16E3600, s6  }
0x10: {  	s20 =	sadd.s32 $0xC35000, s6;
	s21 =	sadd.s32 $0x186A000, s6;
	s22 =	sadd.s32 $0x19F0A00, s6  }
0x11: {  	s1 =	sshrl.u32 s25, $0x1;
	s23 =	sadd.s32 $0x1B77400, s6;
	s24 =	sadd.s32 $0x1CFDE00, s6  }
0x12: {  	s5 =	simm.s32 $0xC00;
	s0 =	sadd.s32 s0, s4;
	s26 =	sshll.u32 s4, $0x4  }
0x13: {  	s4 =	simm.s32 $0x0;
	[dreg:$0x4] =	wrdreg s0;
	s0 =	sadd.s32 $0x3000, s0  }
0x14: {  	[dreg:$0x5] =	wrdreg s0;
	s0 =	ssub.s32 s25, s1;
	s25 =	sadd.s32 s2, s26  }
0x15: {  	s26 =	sadd.s32 $0x1E84800, s6;
	s1 =	sadd.s32 $0x249F000, s6;
	s2 =	simm.s32 $0x400  }
0x16: {  	v0 =	vimm.f32 $0.0e+00;
	s29 =	smax.u32 s0, $0x1;
	s0 =	sadd.s32 $0x2625A00, s6;
	s6 =	simm.s32 $0x1  }
.LBB2_1:
0x17: {  	s11 =	rddreg [dreg:$0x4];
	s12 =	simm.s32 $0x8000  }
0x18: {  	[tilespmem:s3], [sflag:$0x1] =	stream.strided.gather [hbm4b:s11+s2], $0xC00, s12, s2, $0x38;
	[tilespmem:$0x5000] =	vst v63  }
0x19: {  	s12 =	rddreg [dreg:$0x5]  }
0x1a: {  	[tilespmem:s5], [sflag:$0x1] =	stream.linear.gather [hbm4b:s12+s3], $0x100, $0x38;
	[tilespmem:$0x5000] =	vst v63  }
0x1b: {  	s11 =	simm.s32 $0x0;
	s12 =	simm.s32 $0x200  }
.LBB2_2:
0x1c: {  	p0 =	sne.s32 s12, $0xFE00;
	[tilespmem:s11+$0x1070] =	vst v0  }
0x1d: {  	[tilespmem:s11+$0x1000] =	vst v0  }
0x1e: {  	[tilespmem:s11+$0x1010] =	vst v0  }
.Ltmp0:
0x1f: {  	[tilespmem:s11+$0x1020] =	vst v0;
	(pc) =	sbr.rel @p0 .LBB2_2-.Ltmp0, $4  }
0x20: {  	[tilespmem:s11+$0x1030] =	vst v0  }
0x21: {  	[tilespmem:s11+$0x1040] =	vst v0  }
0x22: {  	[tilespmem:s11+$0x1050] =	vst v0  }
0x23: {  	[tilespmem:s11+$0x1060] =	vst v0;
	s11 =	sshra.s32 s12, $0x2;
	s12 =	sadd.s32 $0x200, s12  }
0x24: {  	[tilespmem:s11+$0x1070] =	vst v0  }
0x25: {  	[tilespmem:s11+$0x1000] =	vst v0  }
0x26: {  	[tilespmem:s11+$0x1010] =	vst v0  }
0x27: {  	[tilespmem:s11+$0x1020] =	vst v0  }
0x28: {  	[tilespmem:s11+$0x1030] =	vst v0  }
0x29: {  	[tilespmem:s11+$0x1040] =	vst v0  }
0x2a: {  	[tilespmem:s11+$0x1050] =	vst v0  }
0x2b: {  	[tilespmem:s11+$0x1060] =	vst v0  }
0x2c: {  	_ =	swait.ge [sflag:s6], $0xD00  }
0x2d: {  	[sflag:s6] =	ssyncset.done $0x0  }
0x2e: {  	[sflag:s6] =	ssyncadd.s32 $0xFFFFF300  }
0x2f: {  	s12 =	rddreg [dreg:$0x1]  }
0x30: {  	[tilespmem:s8], [sflag:$0x2] =	stream.indirect.gather.add.f32 [hbm:s12], $0x80, s3, s7, $0xb8;
	[tilespmem:$0x5000] =	vst v63  }
0x31: {  	s12 =	rddreg [dreg:$0x6]  }
0x32: {  	[tilespmem:s8], [sflag:$0x2] =	stream.indirect.gather.add.f32 [hbm:s12], $0x80, s7, s7, $0xb8;
	[tilespmem:$0x5000] =	vst v63  }
0x33: {  	s11 =	rddreg [dreg:$0x7];
	s12 =	simm.s32 $0x100  }
0x34: {  	[tilespmem:s8], [sflag:$0x2] =	stream.indirect.gather.add.f32 [hbm:s11], $0x80, s12, s7, $0xb8;
	[tilespmem:$0x5000] =	vst v63  }
0x35: {  	s11 =	rddreg [dreg:$0x8];
	s12 =	simm.s32 $0x180  }
0x36: {  	[tilespmem:s8], [sflag:$0x2] =	stream.indirect.gather.add.f32 [hbm:s11], $0x80, s12, s7, $0xb8;
	[tilespmem:$0x5000] =	vst v63  }
0x37: {  	s11 =	rddreg [dreg:$0x9];
	s12 =	simm.s32 $0x200  }
0x38: {  	[tilespmem:s8], [sflag:$0x2] =	stream.indirect.gather.add.f32 [hbm:s11], $0x80, s12, s7, $0xb8;
	[tilespmem:$0x5000] =	vst v63  }
0x39: {  	s11 =	rddreg [dreg:$0xa];
	s12 =	simm.s32 $0x280  }
0x3a: {  	[tilespmem:s8], [sflag:$0x2] =	stream.indirect.gather.add.f32 [hbm:s11], $0x80, s12, s7, $0xb8;
	[tilespmem:$0x5000] =	vst v63  }
0x3b: {  	s11 =	rddreg [dreg:$0xb];
	s12 =	simm.s32 $0x300  }
0x3c: {  	[tilespmem:s8], [sflag:$0x2] =	stream.indirect.gather.add.f32 [hbm:s11], $0x80, s12, s7, $0xb8;
	[tilespmem:$0x5000] =	vst v63  }
0x3d: {  	s11 =	rddreg [dreg:$0xc];
	s12 =	simm.s32 $0x380  }
0x3e: {  	[tilespmem:s8], [sflag:$0x2] =	stream.indirect.gather.add.f32 [hbm:s11], $0x80, s12, s7, $0xb8;
	[tilespmem:$0x5000] =	vst v63  }
0x3f: {  	_ = 	snop  }
0x40: {  	[tilespmem:s8], [sflag:$0x2] =	stream.indirect.gather.add.f32 [hbm:s20], $0x80, s2, s7, $0xb8;
	[tilespmem:$0x5000] =	vst v63  }
0x41: {  	s12 =	simm.s32 $0x480  }
0x42: {  	[tilespmem:s8], [sflag:$0x2] =	stream.indirect.gather.add.f32 [hbm:s13], $0x80, s12, s7, $0xb8;
	[tilespmem:$0x5000] =	vst v63  }
0x43: {  	s12 =	simm.s32 $0x500  }
0x44: {  	[tilespmem:s8], [sflag:$0x2] =	stream.indirect.gather.add.f32 [hbm:s14], $0x80, s12, s7, $0xb8;
	[tilespmem:$0x5000] =	vst v63  }
0x45: {  	s12 =	simm.s32 $0x580  }
0x46: {  	[tilespmem:s8], [sflag:$0x2] =	stream.indirect.gather.add.f32 [hbm:s15], $0x80, s12, s7, $0xb8;
	[tilespmem:$0x5000] =	vst v63  }
0x47: {  	s12 =	simm.s32 $0x600  }
0x48: {  	[tilespmem:s8], [sflag:$0x2] =	stream.indirect.gather.add.f32 [hbm:s16], $0x80, s12, s7, $0xb8;
	[tilespmem:$0x5000] =	vst v63  }
0x49: {  	s12 =	simm.s32 $0x680  }
0x4a: {  	[tilespmem:s8], [sflag:$0x2] =	stream.indirect.gather.add.f32 [hbm:s17], $0x80, s12, s7, $0xb8;
	[tilespmem:$0x5000] =	vst v63  }
0x4b: {  	s12 =	simm.s32 $0x700  }
0x4c: {  	[tilespmem:s8], [sflag:$0x2] =	stream.indirect.gather.add.f32 [hbm:s18], $0x80, s12, s7, $0xb8;
	[tilespmem:$0x5000] =	vst v63  }
0x4d: {  	s12 =	simm.s32 $0x780  }
0x4e: {  	[tilespmem:s8], [sflag:$0x2] =	stream.indirect.gather.add.f32 [hbm:s19], $0x80, s12, s7, $0xb8;
	[tilespmem:$0x5000] =	vst v63  }
0x4f: {  	s12 =	simm.s32 $0x800  }
0x50: {  	[tilespmem:s8], [sflag:$0x2] =	stream.indirect.gather.add.f32 [hbm:s21], $0x80, s12, s7, $0xb8;
	[tilespmem:$0x5000] =	vst v63  }
0x51: {  	s12 =	simm.s32 $0x880  }
0x52: {  	[tilespmem:s8], [sflag:$0x2] =	stream.indirect.gather.add.f32 [hbm:s22], $0x80, s12, s7, $0xb8;
	[tilespmem:$0x5000] =	vst v63  }
0x53: {  	s12 =	simm.s32 $0x900  }
0x54: {  	[tilespmem:s8], [sflag:$0x2] =	stream.indirect.gather.add.f32 [hbm:s23], $0x80, s12, s7, $0xb8;
	[tilespmem:$0x5000] =	vst v63  }
0x55: {  	s12 =	simm.s32 $0x980  }
0x56: {  	[tilespmem:s8], [sflag:$0x2] =	stream.indirect.gather.add.f32 [hbm:s24], $0x80, s12, s7, $0xb8;
	[tilespmem:$0x5000] =	vst v63  }
0x57: {  	s12 =	simm.s32 $0xA00  }
0x58: {  	[tilespmem:s8], [sflag:$0x2] =	stream.indirect.gather.add.f32 [hbm:s26], $0x80, s12, s7, $0xb8;
	[tilespmem:$0x5000] =	vst v63  }
0x59: {  	s12 =	simm.s32 $0xA80  }
0x5a: {  	[tilespmem:s8], [sflag:$0x2] =	stream.indirect.gather.add.f32 [hbm:s28], $0x80, s12, s7, $0xb8;
	[tilespmem:$0x5000] =	vst v63  }
0x5b: {  	s12 =	simm.s32 $0xB00  }
0x5c: {  	[tilespmem:s8], [sflag:$0x2] =	stream.indirect.gather.add.f32 [hbm:s30], $0x80, s12, s7, $0xb8;
	[tilespmem:$0x5000] =	vst v63  }
0x5d: {  	s12 =	simm.s32 $0xB80  }
0x5e: {  	[tilespmem:s8], [sflag:$0x2] =	stream.indirect.gather.add.f32 [hbm:s31], $0x80, s12, s7, $0xb8;
	[tilespmem:$0x5000] =	vst v63  }
0x5f: {  	_ = 	snop  }
0x60: {  	[tilespmem:s8], [sflag:$0x2] =	stream.indirect.gather.add.f32 [hbm:s1], $0x80, s5, s7, $0xb8;
	[tilespmem:$0x5000] =	vst v63  }
0x61: {  	s12 =	simm.s32 $0xC80  }
0x62: {  	[tilespmem:s8], [sflag:$0x2] =	stream.indirect.gather.add.f32 [hbm:s0], $0x80, s12, s7, $0xb8;
	[tilespmem:$0x5000] =	vst v63  }
0x63: {  	_ =	swait.ge [sflag:s9], $0x4000  }
0x64: {  	[sflag:s9] =	ssyncset.done $0x0  }
0x65: {  	[sflag:s9] =	ssyncadd.s32 $0xFFFFC000  }
0x66: {  	_ =	swait.ge [sflag:s9], $0x4000  }
0x67: {  	[sflag:s9] =	ssyncset.done $0x0  }
0x68: {  	[sflag:s9] =	ssyncadd.s32 $0xFFFFC000  }
0x69: {  	_ =	swait.ge [sflag:s9], $0x4000  }
0x6a: {  	[sflag:s9] =	ssyncset.done $0x0  }
0x6b: {  	[sflag:s9] =	ssyncadd.s32 $0xFFFFC000  }
0x6c: {  	_ =	swait.ge [sflag:s9], $0x4000  }
0x6d: {  	[sflag:s9] =	ssyncset.done $0x0  }
0x6e: {  	[sflag:s9] =	ssyncadd.s32 $0xFFFFC000  }
0x6f: {  	_ =	swait.ge [sflag:s9], $0x4000  }
0x70: {  	[sflag:s9] =	ssyncset.done $0x0  }
0x71: {  	[sflag:s9] =	ssyncadd.s32 $0xFFFFC000  }
0x72: {  	_ =	swait.ge [sflag:s9], $0x4000  }
0x73: {  	[sflag:s9] =	ssyncset.done $0x0  }
0x74: {  	[sflag:s9] =	ssyncadd.s32 $0xFFFFC000  }
0x75: {  	_ =	swait.ge [sflag:s9], $0x4000  }
0x76: {  	[sflag:s9] =	ssyncset.done $0x0  }
0x77: {  	[sflag:s9] =	ssyncadd.s32 $0xFFFFC000  }
0x78: {  	_ =	swait.ge [sflag:s9], $0x4000  }
0x79: {  	[sflag:s9] =	ssyncset.done $0x0  }
0x7a: {  	[sflag:s9] =	ssyncadd.s32 $0xFFFFC000  }
0x7b: {  	_ =	swait.ge [sflag:s9], $0x4000  }
0x7c: {  	[sflag:s9] =	ssyncset.done $0x0  }
0x7d: {  	[sflag:s9] =	ssyncadd.s32 $0xFFFFC000  }
0x7e: {  	_ =	swait.ge [sflag:s9], $0x4000  }
0x7f: {  	[sflag:s9] =	ssyncset.done $0x0  }
0x80: {  	[sflag:s9] =	ssyncadd.s32 $0xFFFFC000  }
0x81: {  	_ =	swait.ge [sflag:s9], $0x4000  }
0x82: {  	[sflag:s9] =	ssyncset.done $0x0  }
0x83: {  	[sflag:s9] =	ssyncadd.s32 $0xFFFFC000  }
0x84: {  	_ =	swait.ge [sflag:s9], $0x4000  }
0x85: {  	[sflag:s9] =	ssyncset.done $0x0  }
0x86: {  	[sflag:s9] =	ssyncadd.s32 $0xFFFFC000  }
0x87: {  	_ =	swait.ge [sflag:s9], $0x4000  }
0x88: {  	[sflag:s9] =	ssyncset.done $0x0  }
0x89: {  	[sflag:s9] =	ssyncadd.s32 $0xFFFFC000  }
0x8a: {  	_ =	swait.ge [sflag:s9], $0x4000  }
0x8b: {  	[sflag:s9] =	ssyncset.done $0x0  }
0x8c: {  	[sflag:s9] =	ssyncadd.s32 $0xFFFFC000  }
0x8d: {  	_ =	swait.ge [sflag:s9], $0x4000  }
0x8e: {  	[sflag:s9] =	ssyncset.done $0x0  }
0x8f: {  	[sflag:s9] =	ssyncadd.s32 $0xFFFFC000  }
0x90: {  	_ =	swait.ge [sflag:s9], $0x4000  }
0x91: {  	[sflag:s9] =	ssyncset.done $0x0  }
0x92: {  	[sflag:s9] =	ssyncadd.s32 $0xFFFFC000  }
0x93: {  	_ =	swait.ge [sflag:s9], $0x4000  }
0x94: {  	[sflag:s9] =	ssyncset.done $0x0  }
0x95: {  	[sflag:s9] =	ssyncadd.s32 $0xFFFFC000  }
0x96: {  	_ =	swait.ge [sflag:s9], $0x4000  }
0x97: {  	[sflag:s9] =	ssyncset.done $0x0  }
0x98: {  	[sflag:s9] =	ssyncadd.s32 $0xFFFFC000  }
0x99: {  	_ =	swait.ge [sflag:s9], $0x4000  }
0x9a: {  	[sflag:s9] =	ssyncset.done $0x0  }
0x9b: {  	[sflag:s9] =	ssyncadd.s32 $0xFFFFC000  }
0x9c: {  	_ =	swait.ge [sflag:s9], $0x4000  }
0x9d: {  	[sflag:s9] =	ssyncset.done $0x0  }
0x9e: {  	[sflag:s9] =	ssyncadd.s32 $0xFFFFC000  }
0x9f: {  	_ =	swait.ge [sflag:s9], $0x4000  }
0xa0: {  	[sflag:s9] =	ssyncset.done $0x0  }
0xa1: {  	[sflag:s9] =	ssyncadd.s32 $0xFFFFC000  }
0xa2: {  	_ =	swait.ge [sflag:s9], $0x4000  }
0xa3: {  	[sflag:s9] =	ssyncset.done $0x0  }
0xa4: {  	[sflag:s9] =	ssyncadd.s32 $0xFFFFC000  }
0xa5: {  	_ =	swait.ge [sflag:s9], $0x4000  }
0xa6: {  	[sflag:s9] =	ssyncset.done $0x0  }
0xa7: {  	[sflag:s9] =	ssyncadd.s32 $0xFFFFC000  }
0xa8: {  	_ =	swait.ge [sflag:s9], $0x4000  }
0xa9: {  	[sflag:s9] =	ssyncset.done $0x0  }
0xaa: {  	[sflag:s9] =	ssyncadd.s32 $0xFFFFC000  }
0xab: {  	_ =	swait.ge [sflag:s9], $0x4000  }
0xac: {  	[sflag:s9] =	ssyncset.done $0x0  }
0xad: {  	[sflag:s9] =	ssyncadd.s32 $0xFFFFC000  }
0xae: {  	s4 =	sadd.s32 $0x1, s4;
	_ =	swait.ge [sflag:s9], $0x4000  }
0xaf: {  	p0 =	sne.s32 s4, s29;
	[sflag:s9] =	ssyncset.done $0x0  }
.Ltmp1:
0xb0: {  	[sflag:s9] =	ssyncadd.s32 $0xFFFFC000;
	(pc) =	sbr.rel @p0 .LBB2_1-.Ltmp1, $4  }
0xb1: {  	[hbm4b:s25+s3] =	stream.linear.scatter [tilespmem:s8], [sflag:$0x3], $0x4000, $0x38;
	[tilespmem:$0x5000] =	vst v63  }
0xb2: {  	_ =	swait.ge [sflag:s10], $0x4000  }
0xb3: {  	[sflag:s10] =	ssyncset.done $0x0  }
0xb4: {  	[sflag:s10] =	ssyncadd.s32 $0xFFFFC000  }
0xb5: {  	_ =	sfence.sel $0x180000  }
0xb6: {  	[bflag:$0x0] =	sbarrier.arrive $0xFFFF  }
0xb7: {  	_ =	strace $0x90000047  }
0xb8: {  	s0 =	stileid.u32;
	[bflag:$0x2] =	sbarrier.arrive $0xFFFF  }
0xb9: {  	p0 =	sne.s32 s0, $0x0;
	s0 =	rddreg [dreg:$0x3]  }
0xba: {  	s0 =	sadd.s32 @!p0 $0x100000, s0  }
0xbb: {  	[sflag:s0] =	ssyncadd.tile.s32 @!p0 $0x1;
	_ =	shalt  }
.Lfunc_end2:
_tile_overlayer_lowered:
.L_overlay_start_2:
0xbc: {  	(tag) =	ssettag $0x2  }
0xbd: {  	s0 =	rddreg [dreg:$0x0];
	s2 =	stileid.u32  }
0xbe: {  	s1 =	rddreg [dreg:$0x1];
	p0 =	sne.s32 s2, $0x0  }
0xbf: {  	s3 =	rddreg [dreg:$0x2];
	[bflag:$0x3] =	sbarrier.arrive $0xFFFF;
	s2 =	simm.s32 @!p0 $0x1C03  }
0xc0: {  	[timem:s3], [sflag:s2] =	dma.local @!p0 [hbm:s0], s1  }
0xc1: {  	s0 =	simm.s32 @!p0 $0x3  }
0xc2: {  	_ =	swait.ge @!p0 [sflag:s0], s1  }
0xc3: {  	s1 =	ssub.s32 @!p0 $0x0, s1;
	[sflag:s0] =	ssyncset.done @!p0 $0x0  }
0xc4: {  	[sflag:s0] =	ssyncadd.s32 @!p0 s1  }
0xc5: {  	[bflag:$0x3] =	sbarrier.arrive $0xFFFF  }
0xc6: {  	_ =	shalt  }

</sc_bundles>
